<compile_context>
chip_gen: v7x
topology: tpu7x:2x2x1
jax: 0.10.2.dev20260603
libtpu: 0.0.44.dev20260713+nightly
codegen_flags: <defaults>
</compile_context>

<pallas_src>
import functools

import jax
import jax.numpy as jnp
from jax import lax
from jax.experimental import pallas as pl
from jax.experimental.pallas import tpu as pltpu
from jax.experimental.pallas import tpu_sc as plsc

_B = 16384
_D = 128
_NCORES = 2
_NSUB = 16
_NW = _NCORES * _NSUB
_BPW = _B // _NW
_CH = 128
_NCH = _BPW // _CH

_BM = 4096


def _chunk_compute(u_buf, d_buf, m_buf):
    def row_body(r, _):
        for j in range(_D // 16):
            sl = pl.ds(j * 16, 16)
            u = u_buf[r, sl]
            d = d_buf[r, sl]
            m = m_buf[r, sl]
            eu = jnp.exp(-u)
            ed = jnp.exp(-d)
            num = ed - eu
            den = (1.0 + eu) * (1.0 + ed)
            u_buf[r, sl] = m * (num / den)
        return 0

    lax.fori_loop(0, _CH, row_body, 0)


def _sc_body(uid_hbm, qid_hbm, user_t, qdiff_t, qtab_t, qdisc_t,
             ym_out, disc_out,
             uid_v, qid_v, u0, d0, m0, u1, d1, m1, disc_v,
             gsem0, gsem1, ssem, dsem):
    wid = lax.axis_index("s") * _NCORES + lax.axis_index("c")
    base = wid * _BPW
    pltpu.sync_copy(uid_hbm.at[pl.ds(base, _BPW)], uid_v)
    pltpu.sync_copy(qid_hbm.at[pl.ds(base, _BPW)], qid_v)
    gd = pltpu.async_copy(qdisc_t.at[qid_v], disc_v, dsem)

    bufs = ((u0, d0, m0), (u1, d1, m1))
    gsems = (gsem0, gsem1)

    def issue_gathers(k):
        s = k % 2
        ub, db, mb = bufs[s]
        sem = gsems[s]
        sl = pl.ds(k * _CH, _CH)
        return (pltpu.async_copy(user_t.at[uid_v.at[sl]], ub, sem),
                pltpu.async_copy(qdiff_t.at[qid_v.at[sl]], db, sem),
                pltpu.async_copy(qtab_t.at[qid_v.at[sl]], mb, sem))

    gathers = [None, None]
    scatters = [None, None]
    gathers[0] = issue_gathers(0)
    for k in range(_NCH):
        s = k % 2
        if k + 1 < _NCH:
            if scatters[(k + 1) % 2] is not None:
                scatters[(k + 1) % 2].wait()
                scatters[(k + 1) % 2] = None
            gathers[(k + 1) % 2] = issue_gathers(k + 1)
        for g in gathers[s]:
            g.wait()
        ub, db, mb = bufs[s]
        _chunk_compute(ub, db, mb)
        scatters[s] = pltpu.async_copy(
            ub, ym_out.at[pl.ds(base + k * _CH, _CH)], ssem)
    for sc in scatters:
        if sc is not None:
            sc.wait()
    gd.wait()
    pltpu.sync_copy(disc_v, disc_out.at[pl.ds(base, _BPW)])


@functools.cache
def _sc_gather():
    return pl.kernel(
        _sc_body,
        out_type=[
            jax.ShapeDtypeStruct((_B, _D), jnp.float32),
            jax.ShapeDtypeStruct((_B,), jnp.float32),
        ],
        mesh=plsc.VectorSubcoreMesh(core_axis_name="c", subcore_axis_name="s",
                                    num_cores=_NCORES, num_subcores=_NSUB),
        scratch_types=[
            pltpu.VMEM((_BPW,), jnp.int32),
            pltpu.VMEM((_BPW,), jnp.int32),
            pltpu.VMEM((_CH, _D), jnp.float32),
            pltpu.VMEM((_CH, _D), jnp.float32),
            pltpu.VMEM((_CH, _D), jnp.float32),
            pltpu.VMEM((_CH, _D), jnp.float32),
            pltpu.VMEM((_CH, _D), jnp.float32),
            pltpu.VMEM((_CH, _D), jnp.float32),
            pltpu.VMEM((_BPW,), jnp.float32),
            pltpu.SemaphoreType.DMA,
            pltpu.SemaphoreType.DMA,
            pltpu.SemaphoreType.DMA,
            pltpu.SemaphoreType.DMA,
        ],
    )


def _mlp_body(ym_ref, disc_ref, w1_ref, b1_ref, w2_ref, b2_ref,
              w3t_ref, b3_ref, out_ref):
    dct = jnp.tanh(disc_ref[...].T * 0.5) + 1.0
    x = (ym_ref[...] * dct).astype(jnp.bfloat16)
    t1 = jnp.tanh(
        jnp.dot(x, w1_ref[...], preferred_element_type=jnp.float32) + b1_ref[...])
    t2 = jnp.tanh(
        jnp.dot(t1.astype(jnp.bfloat16), w2_ref[...],
                preferred_element_type=jnp.float32) + b2_ref[...])
    o = jnp.sum(t2 * w3t_ref[...], axis=-1, keepdims=True) + b3_ref[...]
    out_ref[...] = (0.5 * jnp.tanh(o) + 0.5).T


@jax.jit
def _ncd_forward(uid, qid, q_table, user_table, q_diff_table, q_disc_table,
                 W1, b1, W2, b2, W3, b3):
    qdisc_1d = q_disc_table.reshape(-1)
    b1r = (0.5 * b1).reshape(1, -1)
    b2r = (0.25 * jnp.sum(W2, axis=0) + 0.5 * b2).reshape(1, -1)
    w3t = (0.25 * W3).reshape(1, -1)
    b3r = (0.25 * jnp.sum(W3) + 0.5 * b3).reshape(1, 1)
    W1q = (2.5 * W1).astype(jnp.bfloat16)
    W2q = (0.25 * W2).astype(jnp.bfloat16)

    ym, disc = _sc_gather()(
        uid, qid, user_table, q_diff_table, q_table, qdisc_1d)

    grid = _B // _BM
    row_spec = pl.BlockSpec((_BM, _D), lambda i: (i, 0))
    rowvec_spec = pl.BlockSpec((1, _BM), lambda i: (0, i))
    full = lambda shape: pl.BlockSpec(shape, lambda i: (0,) * len(shape))
    out = pl.pallas_call(
        _mlp_body,
        grid=(grid,),
        in_specs=[
            row_spec, rowvec_spec,
            full((128, 512)), full((1, 512)),
            full((512, 256)), full((1, 256)),
            full((1, 256)), full((1, 1)),
        ],
        out_specs=rowvec_spec,
        out_shape=jax.ShapeDtypeStruct((1, _B), jnp.float32),
        compiler_params=pltpu.CompilerParams(
            dimension_semantics=("arbitrary",)),
    )(ym, disc.reshape(1, _B), W1q, b1r, W2q, b2r, w3t, b3r)
    return out.reshape(-1)


def kernel(user_id, question_id, q_table, user_table, q_diff_table,
           q_disc_table, W1, b1, W2, b2, W3, b3):
    uid = user_id.astype(jnp.int32)
    qid = question_id.astype(jnp.int32)
    return _ncd_forward(uid, qid, q_table, user_table, q_diff_table,
                        q_disc_table, W1, b1, W2, b2, W3, b3)

# --- scband reference (transcript-rebuilt; emitter-appended) ---
"""Pipeline reference for scband-ncd-15152644620327 (READ-ONLY COPY).

The authoritative reference and input builder live on the scoring server;
editing this copy changes nothing except your own understanding.
"""

import jax, jax.numpy as jnp
import numpy as np

B = 16384
NU = 100000
NQ = 100000
NC = 128
H1 = 512
H2 = 256


def setup_inputs(seed: int = 0) -> dict:
    key = jax.random.key(seed)
    ks = jax.random.split(key, 12)
    user_id = jax.random.randint(ks[0], (B,), 0, NU, dtype=jnp.int64) if jax.config.jax_enable_x64 else jax.random.randint(ks[0], (B,), 0, NU)
    question_id = jax.random.randint(ks[1], (B,), 0, NQ)
    # binary knowledge-concept relevance table (q-matrix), dataset constant
    q_table = (jax.random.uniform(ks[2], (NQ, NC)) < 0.1).astype(jnp.float32)
    # embedding tables
    user_table = jax.random.normal(ks[3], (NU, NC), dtype=jnp.float32) * 0.1
    q_diff_table = jax.random.normal(ks[4], (NQ, NC), dtype=jnp.float32) * 0.1
    q_disc_table = jax.random.normal(ks[5], (NQ, 1), dtype=jnp.float32) * 0.1
    # predictor MLP (NCD: positive-weight MLP, sigmoid activations)
    W1 = jax.random.normal(ks[6], (NC, H1), dtype=jnp.float32) * (1.0 / np.sqrt(NC))
    b1 = jnp.zeros((H1,), dtype=jnp.float32)
    W2 = jax.random.normal(ks[7], (H1, H2), dtype=jnp.float32) * (1.0 / np.sqrt(H1))
    b2 = jnp.zeros((H2,), dtype=jnp.float32)
    W3 = jax.random.normal(ks[8], (H2, 1), dtype=jnp.float32) * (1.0 / np.sqrt(H2))
    b3 = jnp.zeros((1,), dtype=jnp.float32)
    return {"user_id": user_id, "question_id": question_id, "q_table": q_table,
            "user_table": user_table, "q_diff_table": q_diff_table, "q_disc_table": q_disc_table,
            "W1": W1, "b1": b1, "W2": W2, "b2": b2, "W3": W3, "b3": b3}


def reference(user_id, question_id, q_table, user_table, q_diff_table, q_disc_table,
              W1, b1, W2, b2, W3, b3):
    user_emb = jax.nn.sigmoid(jnp.take(user_table, user_id, axis=0))
    question_diff = jax.nn.sigmoid(jnp.take(q_diff_table, question_id, axis=0))
    question_disc = jax.nn.sigmoid(jnp.take(q_disc_table, question_id, axis=0)) * 10.0
    q_mask = jnp.take(q_table, question_id, axis=0)
    x = question_disc * (user_emb - question_diff) * q_mask
    h = jax.nn.sigmoid(x @ W1 + b1)
    h = jax.nn.sigmoid(h @ W2 + b2)
    out = jax.nn.sigmoid(h @ W3 + b3)
    return jnp.squeeze(out, axis=-1)

if __name__ == "__main__":
    import jax
    _d = setup_inputs()
    print(jax.jit(kernel)(*tuple(_d.values())))

</pallas_src>

<mosaic_0001>
#map = affine_map<(d0, d1) -> (0)>
#map1 = affine_map<(d0, d1) -> (0, 0)>
module attributes {stable_mosaic.version = 14 : i64} {
  func.func @_sc_body(%arg0: i32, %arg1: i32, %arg2: memref<16384xi32, #tpu.memory_space<hbm>>, %arg3: memref<16384xi32, #tpu.memory_space<hbm>>, %arg4: memref<100000x128xf32, #tpu.memory_space<hbm>>, %arg5: memref<100000x128xf32, #tpu.memory_space<hbm>>, %arg6: memref<100000x128xf32, #tpu.memory_space<hbm>>, %arg7: memref<100000xf32, #tpu.memory_space<hbm>>, %arg8: memref<16384x128xf32, #tpu.memory_space<hbm>>, %arg9: memref<16384xf32, #tpu.memory_space<hbm>>, %arg10: memref<512xi32, #tpu.memory_space<vmem>>, %arg11: memref<512xi32, #tpu.memory_space<vmem>>, %arg12: memref<128x128xf32, #tpu.memory_space<vmem>>, %arg13: memref<128x128xf32, #tpu.memory_space<vmem>>, %arg14: memref<128x128xf32, #tpu.memory_space<vmem>>, %arg15: memref<128x128xf32, #tpu.memory_space<vmem>>, %arg16: memref<128x128xf32, #tpu.memory_space<vmem>>, %arg17: memref<128x128xf32, #tpu.memory_space<vmem>>, %arg18: memref<512xf32, #tpu.memory_space<vmem>>, %arg19: memref<!tpu.dma_semaphore, #tpu.memory_space<semaphore_mem>>, %arg20: memref<!tpu.dma_semaphore, #tpu.memory_space<semaphore_mem>>, %arg21: memref<!tpu.dma_semaphore, #tpu.memory_space<semaphore_mem>>, %arg22: memref<!tpu.dma_semaphore, #tpu.memory_space<semaphore_mem>>) attributes {dimension_semantics = [#tpu.dimension_semantics<core_parallel>, #tpu.dimension_semantics<subcore_parallel>], iteration_bounds = array<i64: 2, 16>, scalar_prefetch = 0 : i64, scratch_operands = 13 : i64, tpu.core_type = #tpu.core_type<sc_vector_subcore>, window_params = [{transform_indices = #map}, {transform_indices = #map}, {transform_indices = #map1}, {transform_indices = #map1}, {transform_indices = #map1}, {transform_indices = #map}, {transform_indices = #map1}, {transform_indices = #map}]} {
    %mul3A = arith.constant 2 : i32
    %mul3A_0 = arith.muli %arg1, %mul3A : i32
    %add3A = arith.addi %mul3A_0, %arg0 : i32
    %mul3A_1 = arith.constant 512 : i32
    %mul3A_2 = arith.muli %add3A, %mul3A_1 : i32
    "tpu.region"() ({
      %run_scoped3A = tpu.sem_alloc : memref<!tpu.dma_semaphore, #tpu.memory_space<semaphore_mem>>
      %dma_start3A_192 = tpu.memref_slice %arg2[%mul3A_2] : memref<16384xi32, #tpu.memory_space<hbm>> -> memref<512xi32, #tpu.memory_space<hbm>>
      %dma_start3A_193 = tpu.memref_slice %arg2[%mul3A_2] : memref<16384xi32, #tpu.memory_space<hbm>> -> memref<512xi32, #tpu.memory_space<hbm>>
      tpu.enqueue_dma source(%dma_start3A_193 : memref<512xi32, #tpu.memory_space<hbm>>) target(%arg10 : memref<512xi32, #tpu.memory_space<vmem>>) target_semaphore(%run_scoped3A : memref<!tpu.dma_semaphore, #tpu.memory_space<semaphore_mem>>)
      %dma_wait3A_194 = tpu.memref_slice %arg2[%mul3A_2] : memref<16384xi32, #tpu.memory_space<hbm>> -> memref<512xi32, #tpu.memory_space<hbm>>
      %dma_wait3A_195 = tpu.memref_slice %arg2[%mul3A_2] : memref<16384xi32, #tpu.memory_space<hbm>> -> memref<512xi32, #tpu.memory_space<hbm>>
      tpu.wait_dma2 semaphore(%run_scoped3A : memref<!tpu.dma_semaphore, #tpu.memory_space<semaphore_mem>>) src(%dma_wait3A_195 : memref<512xi32, #tpu.memory_space<hbm>>) dst(%arg10 : memref<512xi32, #tpu.memory_space<vmem>>)
      tpu.yield
    }) : () -> ()
    "tpu.region"() ({
      %run_scoped3A = tpu.sem_alloc : memref<!tpu.dma_semaphore, #tpu.memory_space<semaphore_mem>>
      %dma_start3A_192 = tpu.memref_slice %arg3[%mul3A_2] : memref<16384xi32, #tpu.memory_space<hbm>> -> memref<512xi32, #tpu.memory_space<hbm>>
      %dma_start3A_193 = tpu.memref_slice %arg3[%mul3A_2] : memref<16384xi32, #tpu.memory_space<hbm>> -> memref<512xi32, #tpu.memory_space<hbm>>
      tpu.enqueue_dma source(%dma_start3A_193 : memref<512xi32, #tpu.memory_space<hbm>>) target(%arg11 : memref<512xi32, #tpu.memory_space<vmem>>) target_semaphore(%run_scoped3A : memref<!tpu.dma_semaphore, #tpu.memory_space<semaphore_mem>>)
      %dma_wait3A_194 = tpu.memref_slice %arg3[%mul3A_2] : memref<16384xi32, #tpu.memory_space<hbm>> -> memref<512xi32, #tpu.memory_space<hbm>>
      %dma_wait3A_195 = tpu.memref_slice %arg3[%mul3A_2] : memref<16384xi32, #tpu.memory_space<hbm>> -> memref<512xi32, #tpu.memory_space<hbm>>
      tpu.wait_dma2 semaphore(%run_scoped3A : memref<!tpu.dma_semaphore, #tpu.memory_space<semaphore_mem>>) src(%dma_wait3A_195 : memref<512xi32, #tpu.memory_space<hbm>>) dst(%arg11 : memref<512xi32, #tpu.memory_space<vmem>>)
      tpu.yield
    }) : () -> ()
    %dma_start3A = arith.constant 0 : i32
    %dma_start3A_3 = tpu.memref_slice %arg7[%dma_start3A] : memref<100000xf32, #tpu.memory_space<hbm>> -> memref<100000xf32, #tpu.memory_space<hbm>>
    tpu.enqueue_indirect_dma source(%dma_start3A_3 : memref<100000xf32, #tpu.memory_space<hbm>>) target(%arg18 : memref<512xf32, #tpu.memory_space<vmem>>) offsets(%arg11 : memref<512xi32, #tpu.memory_space<vmem>>) semaphore(%arg22 : memref<!tpu.dma_semaphore, #tpu.memory_space<semaphore_mem>>)
    %dma_start3A_4 = arith.constant 0 : i32
    %dma_start3A_5 = tpu.memref_slice %arg10[%dma_start3A_4] : memref<512xi32, #tpu.memory_space<vmem>> -> memref<128xi32, #tpu.memory_space<vmem>>
    %dma_start3A_6 = arith.constant 0 : i32
    %dma_start3A_7 = arith.constant 0 : i32
    %dma_start3A_8 = tpu.memref_slice %arg4[%dma_start3A_6, %dma_start3A_7] : memref<100000x128xf32, #tpu.memory_space<hbm>> -> memref<100000x128xf32, #tpu.memory_space<hbm>>
    tpu.enqueue_indirect_dma source(%dma_start3A_8 : memref<100000x128xf32, #tpu.memory_space<hbm>>) target(%arg12 : memref<128x128xf32, #tpu.memory_space<vmem>>) offsets(%dma_start3A_5 : memref<128xi32, #tpu.memory_space<vmem>>) semaphore(%arg19 : memref<!tpu.dma_semaphore, #tpu.memory_space<semaphore_mem>>)
    %dma_start3A_9 = arith.constant 0 : i32
    %dma_start3A_10 = tpu.memref_slice %arg11[%dma_start3A_9] : memref<512xi32, #tpu.memory_space<vmem>> -> memref<128xi32, #tpu.memory_space<vmem>>
    %dma_start3A_11 = arith.constant 0 : i32
    %dma_start3A_12 = arith.constant 0 : i32
    %dma_start3A_13 = tpu.memref_slice %arg5[%dma_start3A_11, %dma_start3A_12] : memref<100000x128xf32, #tpu.memory_space<hbm>> -> memref<100000x128xf32, #tpu.memory_space<hbm>>
    tpu.enqueue_indirect_dma source(%dma_start3A_13 : memref<100000x128xf32, #tpu.memory_space<hbm>>) target(%arg13 : memref<128x128xf32, #tpu.memory_space<vmem>>) offsets(%dma_start3A_10 : memref<128xi32, #tpu.memory_space<vmem>>) semaphore(%arg19 : memref<!tpu.dma_semaphore, #tpu.memory_space<semaphore_mem>>)
    %dma_start3A_14 = arith.constant 0 : i32
    %dma_start3A_15 = tpu.memref_slice %arg11[%dma_start3A_14] : memref<512xi32, #tpu.memory_space<vmem>> -> memref<128xi32, #tpu.memory_space<vmem>>
    %dma_start3A_16 = arith.constant 0 : i32
    %dma_start3A_17 = arith.constant 0 : i32
    %dma_start3A_18 = tpu.memref_slice %arg6[%dma_start3A_16, %dma_start3A_17] : memref<100000x128xf32, #tpu.memory_space<hbm>> -> memref<100000x128xf32, #tpu.memory_space<hbm>>
    tpu.enqueue_indirect_dma source(%dma_start3A_18 : memref<100000x128xf32, #tpu.memory_space<hbm>>) target(%arg14 : memref<128x128xf32, #tpu.memory_space<vmem>>) offsets(%dma_start3A_15 : memref<128xi32, #tpu.memory_space<vmem>>) semaphore(%arg19 : memref<!tpu.dma_semaphore, #tpu.memory_space<semaphore_mem>>)
    %dma_start3A_19 = arith.constant 128 : i32
    %dma_start3A_20 = tpu.memref_slice %arg10[%dma_start3A_19] : memref<512xi32, #tpu.memory_space<vmem>> -> memref<128xi32, #tpu.memory_space<vmem>>
    %dma_start3A_21 = arith.constant 0 : i32
    %dma_start3A_22 = arith.constant 0 : i32
    %dma_start3A_23 = tpu.memref_slice %arg4[%dma_start3A_21, %dma_start3A_22] : memref<100000x128xf32, #tpu.memory_space<hbm>> -> memref<100000x128xf32, #tpu.memory_space<hbm>>
    tpu.enqueue_indirect_dma source(%dma_start3A_23 : memref<100000x128xf32, #tpu.memory_space<hbm>>) target(%arg15 : memref<128x128xf32, #tpu.memory_space<vmem>>) offsets(%dma_start3A_20 : memref<128xi32, #tpu.memory_space<vmem>>) semaphore(%arg20 : memref<!tpu.dma_semaphore, #tpu.memory_space<semaphore_mem>>)
    %dma_start3A_24 = arith.constant 128 : i32
    %dma_start3A_25 = tpu.memref_slice %arg11[%dma_start3A_24] : memref<512xi32, #tpu.memory_space<vmem>> -> memref<128xi32, #tpu.memory_space<vmem>>
    %dma_start3A_26 = arith.constant 0 : i32
    %dma_start3A_27 = arith.constant 0 : i32
    %dma_start3A_28 = tpu.memref_slice %arg5[%dma_start3A_26, %dma_start3A_27] : memref<100000x128xf32, #tpu.memory_space<hbm>> -> memref<100000x128xf32, #tpu.memory_space<hbm>>
    tpu.enqueue_indirect_dma source(%dma_start3A_28 : memref<100000x128xf32, #tpu.memory_space<hbm>>) target(%arg16 : memref<128x128xf32, #tpu.memory_space<vmem>>) offsets(%dma_start3A_25 : memref<128xi32, #tpu.memory_space<vmem>>) semaphore(%arg20 : memref<!tpu.dma_semaphore, #tpu.memory_space<semaphore_mem>>)
    %dma_start3A_29 = arith.constant 128 : i32
    %dma_start3A_30 = tpu.memref_slice %arg11[%dma_start3A_29] : memref<512xi32, #tpu.memory_space<vmem>> -> memref<128xi32, #tpu.memory_space<vmem>>
    %dma_start3A_31 = arith.constant 0 : i32
    %dma_start3A_32 = arith.constant 0 : i32
    %dma_start3A_33 = tpu.memref_slice %arg6[%dma_start3A_31, %dma_start3A_32] : memref<100000x128xf32, #tpu.memory_space<hbm>> -> memref<100000x128xf32, #tpu.memory_space<hbm>>
    tpu.enqueue_indirect_dma source(%dma_start3A_33 : memref<100000x128xf32, #tpu.memory_space<hbm>>) target(%arg17 : memref<128x128xf32, #tpu.memory_space<vmem>>) offsets(%dma_start3A_30 : memref<128xi32, #tpu.memory_space<vmem>>) semaphore(%arg20 : memref<!tpu.dma_semaphore, #tpu.memory_space<semaphore_mem>>)
    %dma_wait3A = arith.constant 0 : i32
    %dma_wait3A_34 = tpu.memref_slice %arg10[%dma_wait3A] : memref<512xi32, #tpu.memory_space<vmem>> -> memref<128xi32, #tpu.memory_space<vmem>>
    %dma_wait3A_35 = arith.constant 0 : i32
    %dma_wait3A_36 = arith.constant 0 : i32
    %dma_wait3A_37 = tpu.memref_slice %arg4[%dma_wait3A_35, %dma_wait3A_36] : memref<100000x128xf32, #tpu.memory_space<hbm>> -> memref<100000x128xf32, #tpu.memory_space<hbm>>
    tpu.wait_indirect_dma semaphore(%arg19 : memref<!tpu.dma_semaphore, #tpu.memory_space<semaphore_mem>>) src(%dma_wait3A_37 : memref<100000x128xf32, #tpu.memory_space<hbm>>) dst(%arg12 : memref<128x128xf32, #tpu.memory_space<vmem>>)
    %dma_wait3A_38 = arith.constant 0 : i32
    %dma_wait3A_39 = tpu.memref_slice %arg11[%dma_wait3A_38] : memref<512xi32, #tpu.memory_space<vmem>> -> memref<128xi32, #tpu.memory_space<vmem>>
    %dma_wait3A_40 = arith.constant 0 : i32
    %dma_wait3A_41 = arith.constant 0 : i32
    %dma_wait3A_42 = tpu.memref_slice %arg5[%dma_wait3A_40, %dma_wait3A_41] : memref<100000x128xf32, #tpu.memory_space<hbm>> -> memref<100000x128xf32, #tpu.memory_space<hbm>>
    tpu.wait_indirect_dma semaphore(%arg19 : memref<!tpu.dma_semaphore, #tpu.memory_space<semaphore_mem>>) src(%dma_wait3A_42 : memref<100000x128xf32, #tpu.memory_space<hbm>>) dst(%arg13 : memref<128x128xf32, #tpu.memory_space<vmem>>)
    %dma_wait3A_43 = arith.constant 0 : i32
    %dma_wait3A_44 = tpu.memref_slice %arg11[%dma_wait3A_43] : memref<512xi32, #tpu.memory_space<vmem>> -> memref<128xi32, #tpu.memory_space<vmem>>
    %dma_wait3A_45 = arith.constant 0 : i32
    %dma_wait3A_46 = arith.constant 0 : i32
    %dma_wait3A_47 = tpu.memref_slice %arg6[%dma_wait3A_45, %dma_wait3A_46] : memref<100000x128xf32, #tpu.memory_space<hbm>> -> memref<100000x128xf32, #tpu.memory_space<hbm>>
    tpu.wait_indirect_dma semaphore(%arg19 : memref<!tpu.dma_semaphore, #tpu.memory_space<semaphore_mem>>) src(%dma_wait3A_47 : memref<100000x128xf32, #tpu.memory_space<hbm>>) dst(%arg14 : memref<128x128xf32, #tpu.memory_space<vmem>>)
    %scan3A = arith.constant 0 : i32
    %scan3A_48 = arith.constant 0 : i32
    %scan3A_49 = arith.constant 128 : i32
    %scan3A_50 = arith.addi %scan3A_48, %scan3A_49 : i32
    %scan3A_51 = arith.constant 1 : i32
    %scan3A_52 = scf.for %scan3A_192 = %scan3A_48 to %scan3A_50 step %scan3A_51 iter_args(%scan3A_193 = %scan3A) -> (i32)  : i32 {
      %get3A = arith.index_cast %scan3A_192 : i32 to index
      %get3A_194 = arith.constant 0 : index
      %get3A_195 = tpu.vector_load %arg12[%get3A, %get3A_194] {strides = array<i32>} : memref<128x128xf32, #tpu.memory_space<vmem>>, vector<1x16xf32>,
      %get3A_196 = vector.shape_cast %get3A_195 : vector<1x16xf32> to vector<16xf32>
      %get3A_197 = arith.index_cast %scan3A_192 : i32 to index
      %get3A_198 = arith.constant 0 : index
      %get3A_199 = tpu.vector_load %arg13[%get3A_197, %get3A_198] {strides = array<i32>} : memref<128x128xf32, #tpu.memory_space<vmem>>, vector<1x16xf32>,
      %get3A_200 = vector.shape_cast %get3A_199 : vector<1x16xf32> to vector<16xf32>
      %get3A_201 = arith.index_cast %scan3A_192 : i32 to index
      %get3A_202 = arith.constant 0 : index
      %get3A_203 = tpu.vector_load %arg14[%get3A_201, %get3A_202] {strides = array<i32>} : memref<128x128xf32, #tpu.memory_space<vmem>>, vector<1x16xf32>,
      %get3A_204 = vector.shape_cast %get3A_203 : vector<1x16xf32> to vector<16xf32>
      %neg3A = arith.constant 0.000000e+00 : f32
      %neg3A_205 = vector.broadcast %neg3A : f32 to vector<16xf32>
      %neg3A_206 = arith.subf %neg3A_205, %get3A_196 : vector<16xf32>
      %exp3A = math.exp %neg3A_206 : vector<16xf32>
      %neg3A_207 = arith.constant 0.000000e+00 : f32
      %neg3A_208 = vector.broadcast %neg3A_207 : f32 to vector<16xf32>
      %neg3A_209 = arith.subf %neg3A_208, %get3A_200 : vector<16xf32>
      %exp3A_210 = math.exp %neg3A_209 : vector<16xf32>
      %sub3A = arith.subf %exp3A_210, %exp3A : vector<16xf32>
      %add3A_211 = arith.constant 1.000000e+00 : f32
      %add3A_212 = vector.broadcast %add3A_211 : f32 to vector<16xf32>
      %add3A_213 = arith.addf %add3A_212, %exp3A : vector<16xf32>
      %add3A_214 = arith.constant 1.000000e+00 : f32
      %add3A_215 = vector.broadcast %add3A_214 : f32 to vector<16xf32>
      %add3A_216 = arith.addf %add3A_215, %exp3A_210 : vector<16xf32>
      %mul3A_217 = arith.mulf %add3A_213, %add3A_216 : vector<16xf32>
      %div3A = arith.divf %sub3A, %mul3A_217 : vector<16xf32>
      %mul3A_218 = arith.mulf %get3A_204, %div3A : vector<16xf32>
      %swap3A = arith.index_cast %scan3A_192 : i32 to index
      %swap3A_219 = arith.constant 0 : index
      %swap3A_220 = tpu.vector_load %arg12[%swap3A, %swap3A_219] {strides = array<i32>} : memref<128x128xf32, #tpu.memory_space<vmem>>, vector<1x16xf32>,
      %swap3A_221 = vector.shape_cast %swap3A_220 : vector<1x16xf32> to vector<16xf32>
      %swap3A_222 = vector.shape_cast %mul3A_218 : vector<16xf32> to vector<1x16xf32>
      tpu.vector_store %arg12[%swap3A, %swap3A_219], %swap3A_222 {strides = array<i32>} : memref<128x128xf32, #tpu.memory_space<vmem>>, vector<1x16xf32>,
      %get3A_223 = arith.index_cast %scan3A_192 : i32 to index
      %get3A_224 = arith.constant 16 : index
      %get3A_225 = tpu.vector_load %arg12[%get3A_223, %get3A_224] {strides = array<i32>} : memref<128x128xf32, #tpu.memory_space<vmem>>, vector<1x16xf32>,
      %get3A_226 = vector.shape_cast %get3A_225 : vector<1x16xf32> to vector<16xf32>
      %get3A_227 = arith.index_cast %scan3A_192 : i32 to index
      %get3A_228 = arith.constant 16 : index
      %get3A_229 = tpu.vector_load %arg13[%get3A_227, %get3A_228] {strides = array<i32>} : memref<128x128xf32, #tpu.memory_space<vmem>>, vector<1x16xf32>,
      %get3A_230 = vector.shape_cast %get3A_229 : vector<1x16xf32> to vector<16xf32>
      %get3A_231 = arith.index_cast %scan3A_192 : i32 to index
      %get3A_232 = arith.constant 16 : index
      %get3A_233 = tpu.vector_load %arg14[%get3A_231, %get3A_232] {strides = array<i32>} : memref<128x128xf32, #tpu.memory_space<vmem>>, vector<1x16xf32>,
      %get3A_234 = vector.shape_cast %get3A_233 : vector<1x16xf32> to vector<16xf32>
      %neg3A_235 = arith.constant 0.000000e+00 : f32
      %neg3A_236 = vector.broadcast %neg3A_235 : f32 to vector<16xf32>
      %neg3A_237 = arith.subf %neg3A_236, %get3A_226 : vector<16xf32>
      %exp3A_238 = math.exp %neg3A_237 : vector<16xf32>
      %neg3A_239 = arith.constant 0.000000e+00 : f32
      %neg3A_240 = vector.broadcast %neg3A_239 : f32 to vector<16xf32>
      %neg3A_241 = arith.subf %neg3A_240, %get3A_230 : vector<16xf32>
      %exp3A_242 = math.exp %neg3A_241 : vector<16xf32>
      %sub3A_243 = arith.subf %exp3A_242, %exp3A_238 : vector<16xf32>
      %add3A_244 = arith.constant 1.000000e+00 : f32
      %add3A_245 = vector.broadcast %add3A_244 : f32 to vector<16xf32>
      %add3A_246 = arith.addf %add3A_245, %exp3A_238 : vector<16xf32>
      %add3A_247 = arith.constant 1.000000e+00 : f32
      %add3A_248 = vector.broadcast %add3A_247 : f32 to vector<16xf32>
      %add3A_249 = arith.addf %add3A_248, %exp3A_242 : vector<16xf32>
      %mul3A_250 = arith.mulf %add3A_246, %add3A_249 : vector<16xf32>
      %div3A_251 = arith.divf %sub3A_243, %mul3A_250 : vector<16xf32>
      %mul3A_252 = arith.mulf %get3A_234, %div3A_251 : vector<16xf32>
      %swap3A_253 = arith.index_cast %scan3A_192 : i32 to index
      %swap3A_254 = arith.constant 16 : index
      %swap3A_255 = tpu.vector_load %arg12[%swap3A_253, %swap3A_254] {strides = array<i32>} : memref<128x128xf32, #tpu.memory_space<vmem>>, vector<1x16xf32>,
      %swap3A_256 = vector.shape_cast %swap3A_255 : vector<1x16xf32> to vector<16xf32>
      %swap3A_257 = vector.shape_cast %mul3A_252 : vector<16xf32> to vector<1x16xf32>
      tpu.vector_store %arg12[%swap3A_253, %swap3A_254], %swap3A_257 {strides = array<i32>} : memref<128x128xf32, #tpu.memory_space<vmem>>, vector<1x16xf32>,
      %get3A_258 = arith.index_cast %scan3A_192 : i32 to index
      %get3A_259 = arith.constant 32 : index
      %get3A_260 = tpu.vector_load %arg12[%get3A_258, %get3A_259] {strides = array<i32>} : memref<128x128xf32, #tpu.memory_space<vmem>>, vector<1x16xf32>,
      %get3A_261 = vector.shape_cast %get3A_260 : vector<1x16xf32> to vector<16xf32>
      %get3A_262 = arith.index_cast %scan3A_192 : i32 to index
      %get3A_263 = arith.constant 32 : index
      %get3A_264 = tpu.vector_load %arg13[%get3A_262, %get3A_263] {strides = array<i32>} : memref<128x128xf32, #tpu.memory_space<vmem>>, vector<1x16xf32>,
      %get3A_265 = vector.shape_cast %get3A_264 : vector<1x16xf32> to vector<16xf32>
      %get3A_266 = arith.index_cast %scan3A_192 : i32 to index
      %get3A_267 = arith.constant 32 : index
      %get3A_268 = tpu.vector_load %arg14[%get3A_266, %get3A_267] {strides = array<i32>} : memref<128x128xf32, #tpu.memory_space<vmem>>, vector<1x16xf32>,
      %get3A_269 = vector.shape_cast %get3A_268 : vector<1x16xf32> to vector<16xf32>
      %neg3A_270 = arith.constant 0.000000e+00 : f32
      %neg3A_271 = vector.broadcast %neg3A_270 : f32 to vector<16xf32>
      %neg3A_272 = arith.subf %neg3A_271, %get3A_261 : vector<16xf32>
      %exp3A_273 = math.exp %neg3A_272 : vector<16xf32>
      %neg3A_274 = arith.constant 0.000000e+00 : f32
      %neg3A_275 = vector.broadcast %neg3A_274 : f32 to vector<16xf32>
      %neg3A_276 = arith.subf %neg3A_275, %get3A_265 : vector<16xf32>
      %exp3A_277 = math.exp %neg3A_276 : vector<16xf32>
      %sub3A_278 = arith.subf %exp3A_277, %exp3A_273 : vector<16xf32>
      %add3A_279 = arith.constant 1.000000e+00 : f32
      %add3A_280 = vector.broadcast %add3A_279 : f32 to vector<16xf32>
      %add3A_281 = arith.addf %add3A_280, %exp3A_273 : vector<16xf32>
      %add3A_282 = arith.constant 1.000000e+00 : f32
      %add3A_283 = vector.broadcast %add3A_282 : f32 to vector<16xf32>
      %add3A_284 = arith.addf %add3A_283, %exp3A_277 : vector<16xf32>
      %mul3A_285 = arith.mulf %add3A_281, %add3A_284 : vector<16xf32>
      %div3A_286 = arith.divf %sub3A_278, %mul3A_285 : vector<16xf32>
      %mul3A_287 = arith.mulf %get3A_269, %div3A_286 : vector<16xf32>
      %swap3A_288 = arith.index_cast %scan3A_192 : i32 to index
      %swap3A_289 = arith.constant 32 : index
      %swap3A_290 = tpu.vector_load %arg12[%swap3A_288, %swap3A_289] {strides = array<i32>} : memref<128x128xf32, #tpu.memory_space<vmem>>, vector<1x16xf32>,
      %swap3A_291 = vector.shape_cast %swap3A_290 : vector<1x16xf32> to vector<16xf32>
      %swap3A_292 = vector.shape_cast %mul3A_287 : vector<16xf32> to vector<1x16xf32>
      tpu.vector_store %arg12[%swap3A_288, %swap3A_289], %swap3A_292 {strides = array<i32>} : memref<128x128xf32, #tpu.memory_space<vmem>>, vector<1x16xf32>,
      %get3A_293 = arith.index_cast %scan3A_192 : i32 to index
      %get3A_294 = arith.constant 48 : index
      %get3A_295 = tpu.vector_load %arg12[%get3A_293, %get3A_294] {strides = array<i32>} : memref<128x128xf32, #tpu.memory_space<vmem>>, vector<1x16xf32>,
      %get3A_296 = vector.shape_cast %get3A_295 : vector<1x16xf32> to vector<16xf32>
      %get3A_297 = arith.index_cast %scan3A_192 : i32 to index
      %get3A_298 = arith.constant 48 : index
      %get3A_299 = tpu.vector_load %arg13[%get3A_297, %get3A_298] {strides = array<i32>} : memref<128x128xf32, #tpu.memory_space<vmem>>, vector<1x16xf32>,
      %get3A_300 = vector.shape_cast %get3A_299 : vector<1x16xf32> to vector<16xf32>
      %get3A_301 = arith.index_cast %scan3A_192 : i32 to index
      %get3A_302 = arith.constant 48 : index
      %get3A_303 = tpu.vector_load %arg14[%get3A_301, %get3A_302] {strides = array<i32>} : memref<128x128xf32, #tpu.memory_space<vmem>>, vector<1x16xf32>,
      %get3A_304 = vector.shape_cast %get3A_303 : vector<1x16xf32> to vector<16xf32>
      %neg3A_305 = arith.constant 0.000000e+00 : f32
      %neg3A_306 = vector.broadcast %neg3A_305 : f32 to vector<16xf32>
      %neg3A_307 = arith.subf %neg3A_306, %get3A_296 : vector<16xf32>
      %exp3A_308 = math.exp %neg3A_307 : vector<16xf32>
      %neg3A_309 = arith.constant 0.000000e+00 : f32
      %neg3A_310 = vector.broadcast %neg3A_309 : f32 to vector<16xf32>
      %neg3A_311 = arith.subf %neg3A_310, %get3A_300 : vector<16xf32>
      %exp3A_312 = math.exp %neg3A_311 : vector<16xf32>
      %sub3A_313 = arith.subf %exp3A_312, %exp3A_308 : vector<16xf32>
      %add3A_314 = arith.constant 1.000000e+00 : f32
      %add3A_315 = vector.broadcast %add3A_314 : f32 to vector<16xf32>
      %add3A_316 = arith.addf %add3A_315, %exp3A_308 : vector<16xf32>
      %add3A_317 = arith.constant 1.000000e+00 : f32
      %add3A_318 = vector.broadcast %add3A_317 : f32 to vector<16xf32>
      %add3A_319 = arith.addf %add3A_318, %exp3A_312 : vector<16xf32>
      %mul3A_320 = arith.mulf %add3A_316, %add3A_319 : vector<16xf32>
      %div3A_321 = arith.divf %sub3A_313, %mul3A_320 : vector<16xf32>
      %mul3A_322 = arith.mulf %get3A_304, %div3A_321 : vector<16xf32>
      %swap3A_323 = arith.index_cast %scan3A_192 : i32 to index
      %swap3A_324 = arith.constant 48 : index
      %swap3A_325 = tpu.vector_load %arg12[%swap3A_323, %swap3A_324] {strides = array<i32>} : memref<128x128xf32, #tpu.memory_space<vmem>>, vector<1x16xf32>,
      %swap3A_326 = vector.shape_cast %swap3A_325 : vector<1x16xf32> to vector<16xf32>
      %swap3A_327 = vector.shape_cast %mul3A_322 : vector<16xf32> to vector<1x16xf32>
      tpu.vector_store %arg12[%swap3A_323, %swap3A_324], %swap3A_327 {strides = array<i32>} : memref<128x128xf32, #tpu.memory_space<vmem>>, vector<1x16xf32>,
      %get3A_328 = arith.index_cast %scan3A_192 : i32 to index
      %get3A_329 = arith.constant 64 : index
      %get3A_330 = tpu.vector_load %arg12[%get3A_328, %get3A_329] {strides = array<i32>} : memref<128x128xf32, #tpu.memory_space<vmem>>, vector<1x16xf32>,
      %get3A_331 = vector.shape_cast %get3A_330 : vector<1x16xf32> to vector<16xf32>
      %get3A_332 = arith.index_cast %scan3A_192 : i32 to index
      %get3A_333 = arith.constant 64 : index
      %get3A_334 = tpu.vector_load %arg13[%get3A_332, %get3A_333] {strides = array<i32>} : memref<128x128xf32, #tpu.memory_space<vmem>>, vector<1x16xf32>,
      %get3A_335 = vector.shape_cast %get3A_334 : vector<1x16xf32> to vector<16xf32>
      %get3A_336 = arith.index_cast %scan3A_192 : i32 to index
      %get3A_337 = arith.constant 64 : index
      %get3A_338 = tpu.vector_load %arg14[%get3A_336, %get3A_337] {strides = array<i32>} : memref<128x128xf32, #tpu.memory_space<vmem>>, vector<1x16xf32>,
      %get3A_339 = vector.shape_cast %get3A_338 : vector<1x16xf32> to vector<16xf32>
      %neg3A_340 = arith.constant 0.000000e+00 : f32
      %neg3A_341 = vector.broadcast %neg3A_340 : f32 to vector<16xf32>
      %neg3A_342 = arith.subf %neg3A_341, %get3A_331 : vector<16xf32>
      %exp3A_343 = math.exp %neg3A_342 : vector<16xf32>
      %neg3A_344 = arith.constant 0.000000e+00 : f32
      %neg3A_345 = vector.broadcast %neg3A_344 : f32 to vector<16xf32>
      %neg3A_346 = arith.subf %neg3A_345, %get3A_335 : vector<16xf32>
      %exp3A_347 = math.exp %neg3A_346 : vector<16xf32>
      %sub3A_348 = arith.subf %exp3A_347, %exp3A_343 : vector<16xf32>
      %add3A_349 = arith.constant 1.000000e+00 : f32
      %add3A_350 = vector.broadcast %add3A_349 : f32 to vector<16xf32>
      %add3A_351 = arith.addf %add3A_350, %exp3A_343 : vector<16xf32>
      %add3A_352 = arith.constant 1.000000e+00 : f32
      %add3A_353 = vector.broadcast %add3A_352 : f32 to vector<16xf32>
      %add3A_354 = arith.addf %add3A_353, %exp3A_347 : vector<16xf32>
      %mul3A_355 = arith.mulf %add3A_351, %add3A_354 : vector<16xf32>
      %div3A_356 = arith.divf %sub3A_348, %mul3A_355 : vector<16xf32>
      %mul3A_357 = arith.mulf %get3A_339, %div3A_356 : vector<16xf32>
      %swap3A_358 = arith.index_cast %scan3A_192 : i32 to index
      %swap3A_359 = arith.constant 64 : index
      %swap3A_360 = tpu.vector_load %arg12[%swap3A_358, %swap3A_359] {strides = array<i32>} : memref<128x128xf32, #tpu.memory_space<vmem>>, vector<1x16xf32>,
      %swap3A_361 = vector.shape_cast %swap3A_360 : vector<1x16xf32> to vector<16xf32>
      %swap3A_362 = vector.shape_cast %mul3A_357 : vector<16xf32> to vector<1x16xf32>
      tpu.vector_store %arg12[%swap3A_358, %swap3A_359], %swap3A_362 {strides = array<i32>} : memref<128x128xf32, #tpu.memory_space<vmem>>, vector<1x16xf32>,
      %get3A_363 = arith.index_cast %scan3A_192 : i32 to index
      %get3A_364 = arith.constant 80 : index
      %get3A_365 = tpu.vector_load %arg12[%get3A_363, %get3A_364] {strides = array<i32>} : memref<128x128xf32, #tpu.memory_space<vmem>>, vector<1x16xf32>,
      %get3A_366 = vector.shape_cast %get3A_365 : vector<1x16xf32> to vector<16xf32>
      %get3A_367 = arith.index_cast %scan3A_192 : i32 to index
      %get3A_368 = arith.constant 80 : index
      %get3A_369 = tpu.vector_load %arg13[%get3A_367, %get3A_368] {strides = array<i32>} : memref<128x128xf32, #tpu.memory_space<vmem>>, vector<1x16xf32>,
      %get3A_370 = vector.shape_cast %get3A_369 : vector<1x16xf32> to vector<16xf32>
      %get3A_371 = arith.index_cast %scan3A_192 : i32 to index
      %get3A_372 = arith.constant 80 : index
      %get3A_373 = tpu.vector_load %arg14[%get3A_371, %get3A_372] {strides = array<i32>} : memref<128x128xf32, #tpu.memory_space<vmem>>, vector<1x16xf32>,
      %get3A_374 = vector.shape_cast %get3A_373 : vector<1x16xf32> to vector<16xf32>
      %neg3A_375 = arith.constant 0.000000e+00 : f32
      %neg3A_376 = vector.broadcast %neg3A_375 : f32 to vector<16xf32>
      %neg3A_377 = arith.subf %neg3A_376, %get3A_366 : vector<16xf32>
      %exp3A_378 = math.exp %neg3A_377 : vector<16xf32>
      %neg3A_379 = arith.constant 0.000000e+00 : f32
      %neg3A_380 = vector.broadcast %neg3A_379 : f32 to vector<16xf32>
      %neg3A_381 = arith.subf %neg3A_380, %get3A_370 : vector<16xf32>
      %exp3A_382 = math.exp %neg3A_381 : vector<16xf32>
      %sub3A_383 = arith.subf %exp3A_382, %exp3A_378 : vector<16xf32>
      %add3A_384 = arith.constant 1.000000e+00 : f32
      %add3A_385 = vector.broadcast %add3A_384 : f32 to vector<16xf32>
      %add3A_386 = arith.addf %add3A_385, %exp3A_378 : vector<16xf32>
      %add3A_387 = arith.constant 1.000000e+00 : f32
      %add3A_388 = vector.broadcast %add3A_387 : f32 to vector<16xf32>
      %add3A_389 = arith.addf %add3A_388, %exp3A_382 : vector<16xf32>
      %mul3A_390 = arith.mulf %add3A_386, %add3A_389 : vector<16xf32>
      %div3A_391 = arith.divf %sub3A_383, %mul3A_390 : vector<16xf32>
      %mul3A_392 = arith.mulf %get3A_374, %div3A_391 : vector<16xf32>
      %swap3A_393 = arith.index_cast %scan3A_192 : i32 to index
      %swap3A_394 = arith.constant 80 : index
      %swap3A_395 = tpu.vector_load %arg12[%swap3A_393, %swap3A_394] {strides = array<i32>} : memref<128x128xf32, #tpu.memory_space<vmem>>, vector<1x16xf32>,
      %swap3A_396 = vector.shape_cast %swap3A_395 : vector<1x16xf32> to vector<16xf32>
      %swap3A_397 = vector.shape_cast %mul3A_392 : vector<16xf32> to vector<1x16xf32>
      tpu.vector_store %arg12[%swap3A_393, %swap3A_394], %swap3A_397 {strides = array<i32>} : memref<128x128xf32, #tpu.memory_space<vmem>>, vector<1x16xf32>,
      %get3A_398 = arith.index_cast %scan3A_192 : i32 to index
      %get3A_399 = arith.constant 96 : index
      %get3A_400 = tpu.vector_load %arg12[%get3A_398, %get3A_399] {strides = array<i32>} : memref<128x128xf32, #tpu.memory_space<vmem>>, vector<1x16xf32>,
      %get3A_401 = vector.shape_cast %get3A_400 : vector<1x16xf32> to vector<16xf32>
      %get3A_402 = arith.index_cast %scan3A_192 : i32 to index
      %get3A_403 = arith.constant 96 : index
      %get3A_404 = tpu.vector_load %arg13[%get3A_402, %get3A_403] {strides = array<i32>} : memref<128x128xf32, #tpu.memory_space<vmem>>, vector<1x16xf32>,
      %get3A_405 = vector.shape_cast %get3A_404 : vector<1x16xf32> to vector<16xf32>
      %get3A_406 = arith.index_cast %scan3A_192 : i32 to index
      %get3A_407 = arith.constant 96 : index
      %get3A_408 = tpu.vector_load %arg14[%get3A_406, %get3A_407] {strides = array<i32>} : memref<128x128xf32, #tpu.memory_space<vmem>>, vector<1x16xf32>,
      %get3A_409 = vector.shape_cast %get3A_408 : vector<1x16xf32> to vector<16xf32>
      %neg3A_410 = arith.constant 0.000000e+00 : f32
      %neg3A_411 = vector.broadcast %neg3A_410 : f32 to vector<16xf32>
      %neg3A_412 = arith.subf %neg3A_411, %get3A_401 : vector<16xf32>
      %exp3A_413 = math.exp %neg3A_412 : vector<16xf32>
      %neg3A_414 = arith.constant 0.000000e+00 : f32
      %neg3A_415 = vector.broadcast %neg3A_414 : f32 to vector<16xf32>
      %neg3A_416 = arith.subf %neg3A_415, %get3A_405 : vector<16xf32>
      %exp3A_417 = math.exp %neg3A_416 : vector<16xf32>
      %sub3A_418 = arith.subf %exp3A_417, %exp3A_413 : vector<16xf32>
      %add3A_419 = arith.constant 1.000000e+00 : f32
      %add3A_420 = vector.broadcast %add3A_419 : f32 to vector<16xf32>
      %add3A_421 = arith.addf %add3A_420, %exp3A_413 : vector<16xf32>
      %add3A_422 = arith.constant 1.000000e+00 : f32
      %add3A_423 = vector.broadcast %add3A_422 : f32 to vector<16xf32>
      %add3A_424 = arith.addf %add3A_423, %exp3A_417 : vector<16xf32>
      %mul3A_425 = arith.mulf %add3A_421, %add3A_424 : vector<16xf32>
      %div3A_426 = arith.divf %sub3A_418, %mul3A_425 : vector<16xf32>
      %mul3A_427 = arith.mulf %get3A_409, %div3A_426 : vector<16xf32>
      %swap3A_428 = arith.index_cast %scan3A_192 : i32 to index
      %swap3A_429 = arith.constant 96 : index
      %swap3A_430 = tpu.vector_load %arg12[%swap3A_428, %swap3A_429] {strides = array<i32>} : memref<128x128xf32, #tpu.memory_space<vmem>>, vector<1x16xf32>,
      %swap3A_431 = vector.shape_cast %swap3A_430 : vector<1x16xf32> to vector<16xf32>
      %swap3A_432 = vector.shape_cast %mul3A_427 : vector<16xf32> to vector<1x16xf32>
      tpu.vector_store %arg12[%swap3A_428, %swap3A_429], %swap3A_432 {strides = array<i32>} : memref<128x128xf32, #tpu.memory_space<vmem>>, vector<1x16xf32>,
      %get3A_433 = arith.index_cast %scan3A_192 : i32 to index
      %get3A_434 = arith.constant 112 : index
      %get3A_435 = tpu.vector_load %arg12[%get3A_433, %get3A_434] {strides = array<i32>} : memref<128x128xf32, #tpu.memory_space<vmem>>, vector<1x16xf32>,
      %get3A_436 = vector.shape_cast %get3A_435 : vector<1x16xf32> to vector<16xf32>
      %get3A_437 = arith.index_cast %scan3A_192 : i32 to index
      %get3A_438 = arith.constant 112 : index
      %get3A_439 = tpu.vector_load %arg13[%get3A_437, %get3A_438] {strides = array<i32>} : memref<128x128xf32, #tpu.memory_space<vmem>>, vector<1x16xf32>,
      %get3A_440 = vector.shape_cast %get3A_439 : vector<1x16xf32> to vector<16xf32>
      %get3A_441 = arith.index_cast %scan3A_192 : i32 to index
      %get3A_442 = arith.constant 112 : index
      %get3A_443 = tpu.vector_load %arg14[%get3A_441, %get3A_442] {strides = array<i32>} : memref<128x128xf32, #tpu.memory_space<vmem>>, vector<1x16xf32>,
      %get3A_444 = vector.shape_cast %get3A_443 : vector<1x16xf32> to vector<16xf32>
      %neg3A_445 = arith.constant 0.000000e+00 : f32
      %neg3A_446 = vector.broadcast %neg3A_445 : f32 to vector<16xf32>
      %neg3A_447 = arith.subf %neg3A_446, %get3A_436 : vector<16xf32>
      %exp3A_448 = math.exp %neg3A_447 : vector<16xf32>
      %neg3A_449 = arith.constant 0.000000e+00 : f32
      %neg3A_450 = vector.broadcast %neg3A_449 : f32 to vector<16xf32>
      %neg3A_451 = arith.subf %neg3A_450, %get3A_440 : vector<16xf32>
      %exp3A_452 = math.exp %neg3A_451 : vector<16xf32>
      %sub3A_453 = arith.subf %exp3A_452, %exp3A_448 : vector<16xf32>
      %add3A_454 = arith.constant 1.000000e+00 : f32
      %add3A_455 = vector.broadcast %add3A_454 : f32 to vector<16xf32>
      %add3A_456 = arith.addf %add3A_455, %exp3A_448 : vector<16xf32>
      %add3A_457 = arith.constant 1.000000e+00 : f32
      %add3A_458 = vector.broadcast %add3A_457 : f32 to vector<16xf32>
      %add3A_459 = arith.addf %add3A_458, %exp3A_452 : vector<16xf32>
      %mul3A_460 = arith.mulf %add3A_456, %add3A_459 : vector<16xf32>
      %div3A_461 = arith.divf %sub3A_453, %mul3A_460 : vector<16xf32>
      %mul3A_462 = arith.mulf %get3A_444, %div3A_461 : vector<16xf32>
      %swap3A_463 = arith.index_cast %scan3A_192 : i32 to index
      %swap3A_464 = arith.constant 112 : index
      %swap3A_465 = tpu.vector_load %arg12[%swap3A_463, %swap3A_464] {strides = array<i32>} : memref<128x128xf32, #tpu.memory_space<vmem>>, vector<1x16xf32>,
      %swap3A_466 = vector.shape_cast %swap3A_465 : vector<1x16xf32> to vector<16xf32>
      %swap3A_467 = vector.shape_cast %mul3A_462 : vector<16xf32> to vector<1x16xf32>
      tpu.vector_store %arg12[%swap3A_463, %swap3A_464], %swap3A_467 {strides = array<i32>} : memref<128x128xf32, #tpu.memory_space<vmem>>, vector<1x16xf32>,
      %scan3A_468 = arith.constant 0 : i32
      scf.yield %scan3A_468 : i32
    }
    %scan3A_53 = arith.constant 128 : i32
    %add3A_54 = arith.constant 0 : i32
    %add3A_55 = arith.addi %mul3A_2, %add3A_54 : i32
    %dma_start3A_56 = arith.constant 0 : i32
    %dma_start3A_57 = tpu.memref_slice %arg8[%add3A_55, %dma_start3A_56] : memref<16384x128xf32, #tpu.memory_space<hbm>> -> memref<128x128xf32, #tpu.memory_space<hbm>>
    %dma_start3A_58 = arith.constant 0 : i32
    %dma_start3A_59 = tpu.memref_slice %arg8[%add3A_55, %dma_start3A_58] : memref<16384x128xf32, #tpu.memory_space<hbm>> -> memref<128x128xf32, #tpu.memory_space<hbm>>
    tpu.enqueue_dma source(%arg12 : memref<128x128xf32, #tpu.memory_space<vmem>>) target(%dma_start3A_59 : memref<128x128xf32, #tpu.memory_space<hbm>>) target_semaphore(%arg21 : memref<!tpu.dma_semaphore, #tpu.memory_space<semaphore_mem>>)
    %dma_wait3A_60 = arith.constant 0 : i32
    %dma_wait3A_61 = tpu.memref_slice %arg8[%add3A_55, %dma_wait3A_60] : memref<16384x128xf32, #tpu.memory_space<hbm>> -> memref<128x128xf32, #tpu.memory_space<hbm>>
    %dma_wait3A_62 = arith.constant 0 : i32
    %dma_wait3A_63 = tpu.memref_slice %arg8[%add3A_55, %dma_wait3A_62] : memref<16384x128xf32, #tpu.memory_space<hbm>> -> memref<128x128xf32, #tpu.memory_space<hbm>>
    tpu.wait_dma2 semaphore(%arg21 : memref<!tpu.dma_semaphore, #tpu.memory_space<semaphore_mem>>) src(%arg12 : memref<128x128xf32, #tpu.memory_space<vmem>>) dst(%dma_wait3A_63 : memref<128x128xf32, #tpu.memory_space<hbm>>)
    %dma_start3A_64 = arith.constant 256 : i32
    %dma_start3A_65 = tpu.memref_slice %arg10[%dma_start3A_64] : memref<512xi32, #tpu.memory_space<vmem>> -> memref<128xi32, #tpu.memory_space<vmem>>
    %dma_start3A_66 = arith.constant 0 : i32
    %dma_start3A_67 = arith.constant 0 : i32
    %dma_start3A_68 = tpu.memref_slice %arg4[%dma_start3A_66, %dma_start3A_67] : memref<100000x128xf32, #tpu.memory_space<hbm>> -> memref<100000x128xf32, #tpu.memory_space<hbm>>
    tpu.enqueue_indirect_dma source(%dma_start3A_68 : memref<100000x128xf32, #tpu.memory_space<hbm>>) target(%arg12 : memref<128x128xf32, #tpu.memory_space<vmem>>) offsets(%dma_start3A_65 : memref<128xi32, #tpu.memory_space<vmem>>) semaphore(%arg19 : memref<!tpu.dma_semaphore, #tpu.memory_space<semaphore_mem>>)
    %dma_start3A_69 = arith.constant 256 : i32
    %dma_start3A_70 = tpu.memref_slice %arg11[%dma_start3A_69] : memref<512xi32, #tpu.memory_space<vmem>> -> memref<128xi32, #tpu.memory_space<vmem>>
    %dma_start3A_71 = arith.constant 0 : i32
    %dma_start3A_72 = arith.constant 0 : i32
    %dma_start3A_73 = tpu.memref_slice %arg5[%dma_start3A_71, %dma_start3A_72] : memref<100000x128xf32, #tpu.memory_space<hbm>> -> memref<100000x128xf32, #tpu.memory_space<hbm>>
    tpu.enqueue_indirect_dma source(%dma_start3A_73 : memref<100000x128xf32, #tpu.memory_space<hbm>>) target(%arg13 : memref<128x128xf32, #tpu.memory_space<vmem>>) offsets(%dma_start3A_70 : memref<128xi32, #tpu.memory_space<vmem>>) semaphore(%arg19 : memref<!tpu.dma_semaphore, #tpu.memory_space<semaphore_mem>>)
    %dma_start3A_74 = arith.constant 256 : i32
    %dma_start3A_75 = tpu.memref_slice %arg11[%dma_start3A_74] : memref<512xi32, #tpu.memory_space<vmem>> -> memref<128xi32, #tpu.memory_space<vmem>>
    %dma_start3A_76 = arith.constant 0 : i32
    %dma_start3A_77 = arith.constant 0 : i32
    %dma_start3A_78 = tpu.memref_slice %arg6[%dma_start3A_76, %dma_start3A_77] : memref<100000x128xf32, #tpu.memory_space<hbm>> -> memref<100000x128xf32, #tpu.memory_space<hbm>>
    tpu.enqueue_indirect_dma source(%dma_start3A_78 : memref<100000x128xf32, #tpu.memory_space<hbm>>) target(%arg14 : memref<128x128xf32, #tpu.memory_space<vmem>>) offsets(%dma_start3A_75 : memref<128xi32, #tpu.memory_space<vmem>>) semaphore(%arg19 : memref<!tpu.dma_semaphore, #tpu.memory_space<semaphore_mem>>)
    %dma_wait3A_79 = arith.constant 128 : i32
    %dma_wait3A_80 = tpu.memref_slice %arg10[%dma_wait3A_79] : memref<512xi32, #tpu.memory_space<vmem>> -> memref<128xi32, #tpu.memory_space<vmem>>
    %dma_wait3A_81 = arith.constant 0 : i32
    %dma_wait3A_82 = arith.constant 0 : i32
    %dma_wait3A_83 = tpu.memref_slice %arg4[%dma_wait3A_81, %dma_wait3A_82] : memref<100000x128xf32, #tpu.memory_space<hbm>> -> memref<100000x128xf32, #tpu.memory_space<hbm>>
    tpu.wait_indirect_dma semaphore(%arg20 : memref<!tpu.dma_semaphore, #tpu.memory_space<semaphore_mem>>) src(%dma_wait3A_83 : memref<100000x128xf32, #tpu.memory_space<hbm>>) dst(%arg15 : memref<128x128xf32, #tpu.memory_space<vmem>>)
    %dma_wait3A_84 = arith.constant 128 : i32
    %dma_wait3A_85 = tpu.memref_slice %arg11[%dma_wait3A_84] : memref<512xi32, #tpu.memory_space<vmem>> -> memref<128xi32, #tpu.memory_space<vmem>>
    %dma_wait3A_86 = arith.constant 0 : i32
    %dma_wait3A_87 = arith.constant 0 : i32
    %dma_wait3A_88 = tpu.memref_slice %arg5[%dma_wait3A_86, %dma_wait3A_87] : memref<100000x128xf32, #tpu.memory_space<hbm>> -> memref<100000x128xf32, #tpu.memory_space<hbm>>
    tpu.wait_indirect_dma semaphore(%arg20 : memref<!tpu.dma_semaphore, #tpu.memory_space<semaphore_mem>>) src(%dma_wait3A_88 : memref<100000x128xf32, #tpu.memory_space<hbm>>) dst(%arg16 : memref<128x128xf32, #tpu.memory_space<vmem>>)
    %dma_wait3A_89 = arith.constant 128 : i32
    %dma_wait3A_90 = tpu.memref_slice %arg11[%dma_wait3A_89] : memref<512xi32, #tpu.memory_space<vmem>> -> memref<128xi32, #tpu.memory_space<vmem>>
    %dma_wait3A_91 = arith.constant 0 : i32
    %dma_wait3A_92 = arith.constant 0 : i32
    %dma_wait3A_93 = tpu.memref_slice %arg6[%dma_wait3A_91, %dma_wait3A_92] : memref<100000x128xf32, #tpu.memory_space<hbm>> -> memref<100000x128xf32, #tpu.memory_space<hbm>>
    tpu.wait_indirect_dma semaphore(%arg20 : memref<!tpu.dma_semaphore, #tpu.memory_space<semaphore_mem>>) src(%dma_wait3A_93 : memref<100000x128xf32, #tpu.memory_space<hbm>>) dst(%arg17 : memref<128x128xf32, #tpu.memory_space<vmem>>)
    %scan3A_94 = arith.constant 0 : i32
    %scan3A_95 = arith.constant 0 : i32
    %scan3A_96 = arith.constant 128 : i32
    %scan3A_97 = arith.addi %scan3A_95, %scan3A_96 : i32
    %scan3A_98 = arith.constant 1 : i32
    %scan3A_99 = scf.for %scan3A_192 = %scan3A_95 to %scan3A_97 step %scan3A_98 iter_args(%scan3A_193 = %scan3A_94) -> (i32)  : i32 {
      %get3A = arith.index_cast %scan3A_192 : i32 to index
      %get3A_194 = arith.constant 0 : index
      %get3A_195 = tpu.vector_load %arg15[%get3A, %get3A_194] {strides = array<i32>} : memref<128x128xf32, #tpu.memory_space<vmem>>, vector<1x16xf32>,
      %get3A_196 = vector.shape_cast %get3A_195 : vector<1x16xf32> to vector<16xf32>
      %get3A_197 = arith.index_cast %scan3A_192 : i32 to index
      %get3A_198 = arith.constant 0 : index
      %get3A_199 = tpu.vector_load %arg16[%get3A_197, %get3A_198] {strides = array<i32>} : memref<128x128xf32, #tpu.memory_space<vmem>>, vector<1x16xf32>,
      %get3A_200 = vector.shape_cast %get3A_199 : vector<1x16xf32> to vector<16xf32>
      %get3A_201 = arith.index_cast %scan3A_192 : i32 to index
      %get3A_202 = arith.constant 0 : index
      %get3A_203 = tpu.vector_load %arg17[%get3A_201, %get3A_202] {strides = array<i32>} : memref<128x128xf32, #tpu.memory_space<vmem>>, vector<1x16xf32>,
      %get3A_204 = vector.shape_cast %get3A_203 : vector<1x16xf32> to vector<16xf32>
      %neg3A = arith.constant 0.000000e+00 : f32
      %neg3A_205 = vector.broadcast %neg3A : f32 to vector<16xf32>
      %neg3A_206 = arith.subf %neg3A_205, %get3A_196 : vector<16xf32>
      %exp3A = math.exp %neg3A_206 : vector<16xf32>
      %neg3A_207 = arith.constant 0.000000e+00 : f32
      %neg3A_208 = vector.broadcast %neg3A_207 : f32 to vector<16xf32>
      %neg3A_209 = arith.subf %neg3A_208, %get3A_200 : vector<16xf32>
      %exp3A_210 = math.exp %neg3A_209 : vector<16xf32>
      %sub3A = arith.subf %exp3A_210, %exp3A : vector<16xf32>
      %add3A_211 = arith.constant 1.000000e+00 : f32
      %add3A_212 = vector.broadcast %add3A_211 : f32 to vector<16xf32>
      %add3A_213 = arith.addf %add3A_212, %exp3A : vector<16xf32>
      %add3A_214 = arith.constant 1.000000e+00 : f32
      %add3A_215 = vector.broadcast %add3A_214 : f32 to vector<16xf32>
      %add3A_216 = arith.addf %add3A_215, %exp3A_210 : vector<16xf32>
      %mul3A_217 = arith.mulf %add3A_213, %add3A_216 : vector<16xf32>
      %div3A = arith.divf %sub3A, %mul3A_217 : vector<16xf32>
      %mul3A_218 = arith.mulf %get3A_204, %div3A : vector<16xf32>
      %swap3A = arith.index_cast %scan3A_192 : i32 to index
      %swap3A_219 = arith.constant 0 : index
      %swap3A_220 = tpu.vector_load %arg15[%swap3A, %swap3A_219] {strides = array<i32>} : memref<128x128xf32, #tpu.memory_space<vmem>>, vector<1x16xf32>,
      %swap3A_221 = vector.shape_cast %swap3A_220 : vector<1x16xf32> to vector<16xf32>
      %swap3A_222 = vector.shape_cast %mul3A_218 : vector<16xf32> to vector<1x16xf32>
      tpu.vector_store %arg15[%swap3A, %swap3A_219], %swap3A_222 {strides = array<i32>} : memref<128x128xf32, #tpu.memory_space<vmem>>, vector<1x16xf32>,
      %get3A_223 = arith.index_cast %scan3A_192 : i32 to index
      %get3A_224 = arith.constant 16 : index
      %get3A_225 = tpu.vector_load %arg15[%get3A_223, %get3A_224] {strides = array<i32>} : memref<128x128xf32, #tpu.memory_space<vmem>>, vector<1x16xf32>,
      %get3A_226 = vector.shape_cast %get3A_225 : vector<1x16xf32> to vector<16xf32>
      %get3A_227 = arith.index_cast %scan3A_192 : i32 to index
      %get3A_228 = arith.constant 16 : index
      %get3A_229 = tpu.vector_load %arg16[%get3A_227, %get3A_228] {strides = array<i32>} : memref<128x128xf32, #tpu.memory_space<vmem>>, vector<1x16xf32>,
      %get3A_230 = vector.shape_cast %get3A_229 : vector<1x16xf32> to vector<16xf32>
      %get3A_231 = arith.index_cast %scan3A_192 : i32 to index
      %get3A_232 = arith.constant 16 : index
      %get3A_233 = tpu.vector_load %arg17[%get3A_231, %get3A_232] {strides = array<i32>} : memref<128x128xf32, #tpu.memory_space<vmem>>, vector<1x16xf32>,
      %get3A_234 = vector.shape_cast %get3A_233 : vector<1x16xf32> to vector<16xf32>
      %neg3A_235 = arith.constant 0.000000e+00 : f32
      %neg3A_236 = vector.broadcast %neg3A_235 : f32 to vector<16xf32>
      %neg3A_237 = arith.subf %neg3A_236, %get3A_226 : vector<16xf32>
      %exp3A_238 = math.exp %neg3A_237 : vector<16xf32>
      %neg3A_239 = arith.constant 0.000000e+00 : f32
      %neg3A_240 = vector.broadcast %neg3A_239 : f32 to vector<16xf32>
      %neg3A_241 = arith.subf %neg3A_240, %get3A_230 : vector<16xf32>
      %exp3A_242 = math.exp %neg3A_241 : vector<16xf32>
      %sub3A_243 = arith.subf %exp3A_242, %exp3A_238 : vector<16xf32>
      %add3A_244 = arith.constant 1.000000e+00 : f32
      %add3A_245 = vector.broadcast %add3A_244 : f32 to vector<16xf32>
      %add3A_246 = arith.addf %add3A_245, %exp3A_238 : vector<16xf32>
      %add3A_247 = arith.constant 1.000000e+00 : f32
      %add3A_248 = vector.broadcast %add3A_247 : f32 to vector<16xf32>
      %add3A_249 = arith.addf %add3A_248, %exp3A_242 : vector<16xf32>
      %mul3A_250 = arith.mulf %add3A_246, %add3A_249 : vector<16xf32>
      %div3A_251 = arith.divf %sub3A_243, %mul3A_250 : vector<16xf32>
      %mul3A_252 = arith.mulf %get3A_234, %div3A_251 : vector<16xf32>
      %swap3A_253 = arith.index_cast %scan3A_192 : i32 to index
      %swap3A_254 = arith.constant 16 : index
      %swap3A_255 = tpu.vector_load %arg15[%swap3A_253, %swap3A_254] {strides = array<i32>} : memref<128x128xf32, #tpu.memory_space<vmem>>, vector<1x16xf32>,
      %swap3A_256 = vector.shape_cast %swap3A_255 : vector<1x16xf32> to vector<16xf32>
      %swap3A_257 = vector.shape_cast %mul3A_252 : vector<16xf32> to vector<1x16xf32>
      tpu.vector_store %arg15[%swap3A_253, %swap3A_254], %swap3A_257 {strides = array<i32>} : memref<128x128xf32, #tpu.memory_space<vmem>>, vector<1x16xf32>,
      %get3A_258 = arith.index_cast %scan3A_192 : i32 to index
      %get3A_259 = arith.constant 32 : index
      %get3A_260 = tpu.vector_load %arg15[%get3A_258, %get3A_259] {strides = array<i32>} : memref<128x128xf32, #tpu.memory_space<vmem>>, vector<1x16xf32>,
      %get3A_261 = vector.shape_cast %get3A_260 : vector<1x16xf32> to vector<16xf32>
      %get3A_262 = arith.index_cast %scan3A_192 : i32 to index
      %get3A_263 = arith.constant 32 : index
      %get3A_264 = tpu.vector_load %arg16[%get3A_262, %get3A_263] {strides = array<i32>} : memref<128x128xf32, #tpu.memory_space<vmem>>, vector<1x16xf32>,
      %get3A_265 = vector.shape_cast %get3A_264 : vector<1x16xf32> to vector<16xf32>
      %get3A_266 = arith.index_cast %scan3A_192 : i32 to index
      %get3A_267 = arith.constant 32 : index
      %get3A_268 = tpu.vector_load %arg17[%get3A_266, %get3A_267] {strides = array<i32>} : memref<128x128xf32, #tpu.memory_space<vmem>>, vector<1x16xf32>,
      %get3A_269 = vector.shape_cast %get3A_268 : vector<1x16xf32> to vector<16xf32>
      %neg3A_270 = arith.constant 0.000000e+00 : f32
      %neg3A_271 = vector.broadcast %neg3A_270 : f32 to vector<16xf32>
      %neg3A_272 = arith.subf %neg3A_271, %get3A_261 : vector<16xf32>
      %exp3A_273 = math.exp %neg3A_272 : vector<16xf32>
      %neg3A_274 = arith.constant 0.000000e+00 : f32
      %neg3A_275 = vector.broadcast %neg3A_274 : f32 to vector<16xf32>
      %neg3A_276 = arith.subf %neg3A_275, %get3A_265 : vector<16xf32>
      %exp3A_277 = math.exp %neg3A_276 : vector<16xf32>
      %sub3A_278 = arith.subf %exp3A_277, %exp3A_273 : vector<16xf32>
      %add3A_279 = arith.constant 1.000000e+00 : f32
      %add3A_280 = vector.broadcast %add3A_279 : f32 to vector<16xf32>
      %add3A_281 = arith.addf %add3A_280, %exp3A_273 : vector<16xf32>
      %add3A_282 = arith.constant 1.000000e+00 : f32
      %add3A_283 = vector.broadcast %add3A_282 : f32 to vector<16xf32>
      %add3A_284 = arith.addf %add3A_283, %exp3A_277 : vector<16xf32>
      %mul3A_285 = arith.mulf %add3A_281, %add3A_284 : vector<16xf32>
      %div3A_286 = arith.divf %sub3A_278, %mul3A_285 : vector<16xf32>
      %mul3A_287 = arith.mulf %get3A_269, %div3A_286 : vector<16xf32>
      %swap3A_288 = arith.index_cast %scan3A_192 : i32 to index
      %swap3A_289 = arith.constant 32 : index
      %swap3A_290 = tpu.vector_load %arg15[%swap3A_288, %swap3A_289] {strides = array<i32>} : memref<128x128xf32, #tpu.memory_space<vmem>>, vector<1x16xf32>,
      %swap3A_291 = vector.shape_cast %swap3A_290 : vector<1x16xf32> to vector<16xf32>
      %swap3A_292 = vector.shape_cast %mul3A_287 : vector<16xf32> to vector<1x16xf32>
      tpu.vector_store %arg15[%swap3A_288, %swap3A_289], %swap3A_292 {strides = array<i32>} : memref<128x128xf32, #tpu.memory_space<vmem>>, vector<1x16xf32>,
      %get3A_293 = arith.index_cast %scan3A_192 : i32 to index
      %get3A_294 = arith.constant 48 : index
      %get3A_295 = tpu.vector_load %arg15[%get3A_293, %get3A_294] {strides = array<i32>} : memref<128x128xf32, #tpu.memory_space<vmem>>, vector<1x16xf32>,
      %get3A_296 = vector.shape_cast %get3A_295 : vector<1x16xf32> to vector<16xf32>
      %get3A_297 = arith.index_cast %scan3A_192 : i32 to index
      %get3A_298 = arith.constant 48 : index
      %get3A_299 = tpu.vector_load %arg16[%get3A_297, %get3A_298] {strides = array<i32>} : memref<128x128xf32, #tpu.memory_space<vmem>>, vector<1x16xf32>,
      %get3A_300 = vector.shape_cast %get3A_299 : vector<1x16xf32> to vector<16xf32>
      %get3A_301 = arith.index_cast %scan3A_192 : i32 to index
      %get3A_302 = arith.constant 48 : index
      %get3A_303 = tpu.vector_load %arg17[%get3A_301, %get3A_302] {strides = array<i32>} : memref<128x128xf32, #tpu.memory_space<vmem>>, vector<1x16xf32>,
      %get3A_304 = vector.shape_cast %get3A_303 : vector<1x16xf32> to vector<16xf32>
      %neg3A_305 = arith.constant 0.000000e+00 : f32
      %neg3A_306 = vector.broadcast %neg3A_305 : f32 to vector<16xf32>
      %neg3A_307 = arith.subf %neg3A_306, %get3A_296 : vector<16xf32>
      %exp3A_308 = math.exp %neg3A_307 : vector<16xf32>
      %neg3A_309 = arith.constant 0.000000e+00 : f32
      %neg3A_310 = vector.broadcast %neg3A_309 : f32 to vector<16xf32>
      %neg3A_311 = arith.subf %neg3A_310, %get3A_300 : vector<16xf32>
      %exp3A_312 = math.exp %neg3A_311 : vector<16xf32>
      %sub3A_313 = arith.subf %exp3A_312, %exp3A_308 : vector<16xf32>
      %add3A_314 = arith.constant 1.000000e+00 : f32
      %add3A_315 = vector.broadcast %add3A_314 : f32 to vector<16xf32>
      %add3A_316 = arith.addf %add3A_315, %exp3A_308 : vector<16xf32>
      %add3A_317 = arith.constant 1.000000e+00 : f32
      %add3A_318 = vector.broadcast %add3A_317 : f32 to vector<16xf32>
      %add3A_319 = arith.addf %add3A_318, %exp3A_312 : vector<16xf32>
      %mul3A_320 = arith.mulf %add3A_316, %add3A_319 : vector<16xf32>
      %div3A_321 = arith.divf %sub3A_313, %mul3A_320 : vector<16xf32>
      %mul3A_322 = arith.mulf %get3A_304, %div3A_321 : vector<16xf32>
      %swap3A_323 = arith.index_cast %scan3A_192 : i32 to index
      %swap3A_324 = arith.constant 48 : index
      %swap3A_325 = tpu.vector_load %arg15[%swap3A_323, %swap3A_324] {strides = array<i32>} : memref<128x128xf32, #tpu.memory_space<vmem>>, vector<1x16xf32>,
      %swap3A_326 = vector.shape_cast %swap3A_325 : vector<1x16xf32> to vector<16xf32>
      %swap3A_327 = vector.shape_cast %mul3A_322 : vector<16xf32> to vector<1x16xf32>
      tpu.vector_store %arg15[%swap3A_323, %swap3A_324], %swap3A_327 {strides = array<i32>} : memref<128x128xf32, #tpu.memory_space<vmem>>, vector<1x16xf32>,
      %get3A_328 = arith.index_cast %scan3A_192 : i32 to index
      %get3A_329 = arith.constant 64 : index
      %get3A_330 = tpu.vector_load %arg15[%get3A_328, %get3A_329] {strides = array<i32>} : memref<128x128xf32, #tpu.memory_space<vmem>>, vector<1x16xf32>,
      %get3A_331 = vector.shape_cast %get3A_330 : vector<1x16xf32> to vector<16xf32>
      %get3A_332 = arith.index_cast %scan3A_192 : i32 to index
      %get3A_333 = arith.constant 64 : index
      %get3A_334 = tpu.vector_load %arg16[%get3A_332, %get3A_333] {strides = array<i32>} : memref<128x128xf32, #tpu.memory_space<vmem>>, vector<1x16xf32>,
      %get3A_335 = vector.shape_cast %get3A_334 : vector<1x16xf32> to vector<16xf32>
      %get3A_336 = arith.index_cast %scan3A_192 : i32 to index
      %get3A_337 = arith.constant 64 : index
      %get3A_338 = tpu.vector_load %arg17[%get3A_336, %get3A_337] {strides = array<i32>} : memref<128x128xf32, #tpu.memory_space<vmem>>, vector<1x16xf32>,
      %get3A_339 = vector.shape_cast %get3A_338 : vector<1x16xf32> to vector<16xf32>
      %neg3A_340 = arith.constant 0.000000e+00 : f32
      %neg3A_341 = vector.broadcast %neg3A_340 : f32 to vector<16xf32>
      %neg3A_342 = arith.subf %neg3A_341, %get3A_331 : vector<16xf32>
      %exp3A_343 = math.exp %neg3A_342 : vector<16xf32>
      %neg3A_344 = arith.constant 0.000000e+00 : f32
      %neg3A_345 = vector.broadcast %neg3A_344 : f32 to vector<16xf32>
      %neg3A_346 = arith.subf %neg3A_345, %get3A_335 : vector<16xf32>
      %exp3A_347 = math.exp %neg3A_346 : vector<16xf32>
      %sub3A_348 = arith.subf %exp3A_347, %exp3A_343 : vector<16xf32>
      %add3A_349 = arith.constant 1.000000e+00 : f32
      %add3A_350 = vector.broadcast %add3A_349 : f32 to vector<16xf32>
      %add3A_351 = arith.addf %add3A_350, %exp3A_343 : vector<16xf32>
      %add3A_352 = arith.constant 1.000000e+00 : f32
      %add3A_353 = vector.broadcast %add3A_352 : f32 to vector<16xf32>
      %add3A_354 = arith.addf %add3A_353, %exp3A_347 : vector<16xf32>
      %mul3A_355 = arith.mulf %add3A_351, %add3A_354 : vector<16xf32>
      %div3A_356 = arith.divf %sub3A_348, %mul3A_355 : vector<16xf32>
      %mul3A_357 = arith.mulf %get3A_339, %div3A_356 : vector<16xf32>
      %swap3A_358 = arith.index_cast %scan3A_192 : i32 to index
      %swap3A_359 = arith.constant 64 : index
      %swap3A_360 = tpu.vector_load %arg15[%swap3A_358, %swap3A_359] {strides = array<i32>} : memref<128x128xf32, #tpu.memory_space<vmem>>, vector<1x16xf32>,
      %swap3A_361 = vector.shape_cast %swap3A_360 : vector<1x16xf32> to vector<16xf32>
      %swap3A_362 = vector.shape_cast %mul3A_357 : vector<16xf32> to vector<1x16xf32>
      tpu.vector_store %arg15[%swap3A_358, %swap3A_359], %swap3A_362 {strides = array<i32>} : memref<128x128xf32, #tpu.memory_space<vmem>>, vector<1x16xf32>,
      %get3A_363 = arith.index_cast %scan3A_192 : i32 to index
      %get3A_364 = arith.constant 80 : index
      %get3A_365 = tpu.vector_load %arg15[%get3A_363, %get3A_364] {strides = array<i32>} : memref<128x128xf32, #tpu.memory_space<vmem>>, vector<1x16xf32>,
      %get3A_366 = vector.shape_cast %get3A_365 : vector<1x16xf32> to vector<16xf32>
      %get3A_367 = arith.index_cast %scan3A_192 : i32 to index
      %get3A_368 = arith.constant 80 : index
      %get3A_369 = tpu.vector_load %arg16[%get3A_367, %get3A_368] {strides = array<i32>} : memref<128x128xf32, #tpu.memory_space<vmem>>, vector<1x16xf32>,
      %get3A_370 = vector.shape_cast %get3A_369 : vector<1x16xf32> to vector<16xf32>
      %get3A_371 = arith.index_cast %scan3A_192 : i32 to index
      %get3A_372 = arith.constant 80 : index
      %get3A_373 = tpu.vector_load %arg17[%get3A_371, %get3A_372] {strides = array<i32>} : memref<128x128xf32, #tpu.memory_space<vmem>>, vector<1x16xf32>,
      %get3A_374 = vector.shape_cast %get3A_373 : vector<1x16xf32> to vector<16xf32>
      %neg3A_375 = arith.constant 0.000000e+00 : f32
      %neg3A_376 = vector.broadcast %neg3A_375 : f32 to vector<16xf32>
      %neg3A_377 = arith.subf %neg3A_376, %get3A_366 : vector<16xf32>
      %exp3A_378 = math.exp %neg3A_377 : vector<16xf32>
      %neg3A_379 = arith.constant 0.000000e+00 : f32
      %neg3A_380 = vector.broadcast %neg3A_379 : f32 to vector<16xf32>
      %neg3A_381 = arith.subf %neg3A_380, %get3A_370 : vector<16xf32>
      %exp3A_382 = math.exp %neg3A_381 : vector<16xf32>
      %sub3A_383 = arith.subf %exp3A_382, %exp3A_378 : vector<16xf32>
      %add3A_384 = arith.constant 1.000000e+00 : f32
      %add3A_385 = vector.broadcast %add3A_384 : f32 to vector<16xf32>
      %add3A_386 = arith.addf %add3A_385, %exp3A_378 : vector<16xf32>
      %add3A_387 = arith.constant 1.000000e+00 : f32
      %add3A_388 = vector.broadcast %add3A_387 : f32 to vector<16xf32>
      %add3A_389 = arith.addf %add3A_388, %exp3A_382 : vector<16xf32>
      %mul3A_390 = arith.mulf %add3A_386, %add3A_389 : vector<16xf32>
      %div3A_391 = arith.divf %sub3A_383, %mul3A_390 : vector<16xf32>
      %mul3A_392 = arith.mulf %get3A_374, %div3A_391 : vector<16xf32>
      %swap3A_393 = arith.index_cast %scan3A_192 : i32 to index
      %swap3A_394 = arith.constant 80 : index
      %swap3A_395 = tpu.vector_load %arg15[%swap3A_393, %swap3A_394] {strides = array<i32>} : memref<128x128xf32, #tpu.memory_space<vmem>>, vector<1x16xf32>,
      %swap3A_396 = vector.shape_cast %swap3A_395 : vector<1x16xf32> to vector<16xf32>
      %swap3A_397 = vector.shape_cast %mul3A_392 : vector<16xf32> to vector<1x16xf32>
      tpu.vector_store %arg15[%swap3A_393, %swap3A_394], %swap3A_397 {strides = array<i32>} : memref<128x128xf32, #tpu.memory_space<vmem>>, vector<1x16xf32>,
      %get3A_398 = arith.index_cast %scan3A_192 : i32 to index
      %get3A_399 = arith.constant 96 : index
      %get3A_400 = tpu.vector_load %arg15[%get3A_398, %get3A_399] {strides = array<i32>} : memref<128x128xf32, #tpu.memory_space<vmem>>, vector<1x16xf32>,
      %get3A_401 = vector.shape_cast %get3A_400 : vector<1x16xf32> to vector<16xf32>
      %get3A_402 = arith.index_cast %scan3A_192 : i32 to index
      %get3A_403 = arith.constant 96 : index
      %get3A_404 = tpu.vector_load %arg16[%get3A_402, %get3A_403] {strides = array<i32>} : memref<128x128xf32, #tpu.memory_space<vmem>>, vector<1x16xf32>,
      %get3A_405 = vector.shape_cast %get3A_404 : vector<1x16xf32> to vector<16xf32>
      %get3A_406 = arith.index_cast %scan3A_192 : i32 to index
      %get3A_407 = arith.constant 96 : index
      %get3A_408 = tpu.vector_load %arg17[%get3A_406, %get3A_407] {strides = array<i32>} : memref<128x128xf32, #tpu.memory_space<vmem>>, vector<1x16xf32>,
      %get3A_409 = vector.shape_cast %get3A_408 : vector<1x16xf32> to vector<16xf32>
      %neg3A_410 = arith.constant 0.000000e+00 : f32
      %neg3A_411 = vector.broadcast %neg3A_410 : f32 to vector<16xf32>
      %neg3A_412 = arith.subf %neg3A_411, %get3A_401 : vector<16xf32>
      %exp3A_413 = math.exp %neg3A_412 : vector<16xf32>
      %neg3A_414 = arith.constant 0.000000e+00 : f32
      %neg3A_415 = vector.broadcast %neg3A_414 : f32 to vector<16xf32>
      %neg3A_416 = arith.subf %neg3A_415, %get3A_405 : vector<16xf32>
      %exp3A_417 = math.exp %neg3A_416 : vector<16xf32>
      %sub3A_418 = arith.subf %exp3A_417, %exp3A_413 : vector<16xf32>
      %add3A_419 = arith.constant 1.000000e+00 : f32
      %add3A_420 = vector.broadcast %add3A_419 : f32 to vector<16xf32>
      %add3A_421 = arith.addf %add3A_420, %exp3A_413 : vector<16xf32>
      %add3A_422 = arith.constant 1.000000e+00 : f32
      %add3A_423 = vector.broadcast %add3A_422 : f32 to vector<16xf32>
      %add3A_424 = arith.addf %add3A_423, %exp3A_417 : vector<16xf32>
      %mul3A_425 = arith.mulf %add3A_421, %add3A_424 : vector<16xf32>
      %div3A_426 = arith.divf %sub3A_418, %mul3A_425 : vector<16xf32>
      %mul3A_427 = arith.mulf %get3A_409, %div3A_426 : vector<16xf32>
      %swap3A_428 = arith.index_cast %scan3A_192 : i32 to index
      %swap3A_429 = arith.constant 96 : index
      %swap3A_430 = tpu.vector_load %arg15[%swap3A_428, %swap3A_429] {strides = array<i32>} : memref<128x128xf32, #tpu.memory_space<vmem>>, vector<1x16xf32>,
      %swap3A_431 = vector.shape_cast %swap3A_430 : vector<1x16xf32> to vector<16xf32>
      %swap3A_432 = vector.shape_cast %mul3A_427 : vector<16xf32> to vector<1x16xf32>
      tpu.vector_store %arg15[%swap3A_428, %swap3A_429], %swap3A_432 {strides = array<i32>} : memref<128x128xf32, #tpu.memory_space<vmem>>, vector<1x16xf32>,
      %get3A_433 = arith.index_cast %scan3A_192 : i32 to index
      %get3A_434 = arith.constant 112 : index
      %get3A_435 = tpu.vector_load %arg15[%get3A_433, %get3A_434] {strides = array<i32>} : memref<128x128xf32, #tpu.memory_space<vmem>>, vector<1x16xf32>,
      %get3A_436 = vector.shape_cast %get3A_435 : vector<1x16xf32> to vector<16xf32>
      %get3A_437 = arith.index_cast %scan3A_192 : i32 to index
      %get3A_438 = arith.constant 112 : index
      %get3A_439 = tpu.vector_load %arg16[%get3A_437, %get3A_438] {strides = array<i32>} : memref<128x128xf32, #tpu.memory_space<vmem>>, vector<1x16xf32>,
      %get3A_440 = vector.shape_cast %get3A_439 : vector<1x16xf32> to vector<16xf32>
      %get3A_441 = arith.index_cast %scan3A_192 : i32 to index
      %get3A_442 = arith.constant 112 : index
      %get3A_443 = tpu.vector_load %arg17[%get3A_441, %get3A_442] {strides = array<i32>} : memref<128x128xf32, #tpu.memory_space<vmem>>, vector<1x16xf32>,
      %get3A_444 = vector.shape_cast %get3A_443 : vector<1x16xf32> to vector<16xf32>
      %neg3A_445 = arith.constant 0.000000e+00 : f32
      %neg3A_446 = vector.broadcast %neg3A_445 : f32 to vector<16xf32>
      %neg3A_447 = arith.subf %neg3A_446, %get3A_436 : vector<16xf32>
      %exp3A_448 = math.exp %neg3A_447 : vector<16xf32>
      %neg3A_449 = arith.constant 0.000000e+00 : f32
      %neg3A_450 = vector.broadcast %neg3A_449 : f32 to vector<16xf32>
      %neg3A_451 = arith.subf %neg3A_450, %get3A_440 : vector<16xf32>
      %exp3A_452 = math.exp %neg3A_451 : vector<16xf32>
      %sub3A_453 = arith.subf %exp3A_452, %exp3A_448 : vector<16xf32>
      %add3A_454 = arith.constant 1.000000e+00 : f32
      %add3A_455 = vector.broadcast %add3A_454 : f32 to vector<16xf32>
      %add3A_456 = arith.addf %add3A_455, %exp3A_448 : vector<16xf32>
      %add3A_457 = arith.constant 1.000000e+00 : f32
      %add3A_458 = vector.broadcast %add3A_457 : f32 to vector<16xf32>
      %add3A_459 = arith.addf %add3A_458, %exp3A_452 : vector<16xf32>
      %mul3A_460 = arith.mulf %add3A_456, %add3A_459 : vector<16xf32>
      %div3A_461 = arith.divf %sub3A_453, %mul3A_460 : vector<16xf32>
      %mul3A_462 = arith.mulf %get3A_444, %div3A_461 : vector<16xf32>
      %swap3A_463 = arith.index_cast %scan3A_192 : i32 to index
      %swap3A_464 = arith.constant 112 : index
      %swap3A_465 = tpu.vector_load %arg15[%swap3A_463, %swap3A_464] {strides = array<i32>} : memref<128x128xf32, #tpu.memory_space<vmem>>, vector<1x16xf32>,
      %swap3A_466 = vector.shape_cast %swap3A_465 : vector<1x16xf32> to vector<16xf32>
      %swap3A_467 = vector.shape_cast %mul3A_462 : vector<16xf32> to vector<1x16xf32>
      tpu.vector_store %arg15[%swap3A_463, %swap3A_464], %swap3A_467 {strides = array<i32>} : memref<128x128xf32, #tpu.memory_space<vmem>>, vector<1x16xf32>,
      %scan3A_468 = arith.constant 0 : i32
      scf.yield %scan3A_468 : i32
    }
    %scan3A_100 = arith.constant 128 : i32
    %add3A_101 = arith.constant 128 : i32
    %add3A_102 = arith.addi %mul3A_2, %add3A_101 : i32
    %dma_start3A_103 = arith.constant 0 : i32
    %dma_start3A_104 = tpu.memref_slice %arg8[%add3A_102, %dma_start3A_103] : memref<16384x128xf32, #tpu.memory_space<hbm>> -> memref<128x128xf32, #tpu.memory_space<hbm>>
    %dma_start3A_105 = arith.constant 0 : i32
    %dma_start3A_106 = tpu.memref_slice %arg8[%add3A_102, %dma_start3A_105] : memref<16384x128xf32, #tpu.memory_space<hbm>> -> memref<128x128xf32, #tpu.memory_space<hbm>>
    tpu.enqueue_dma source(%arg15 : memref<128x128xf32, #tpu.memory_space<vmem>>) target(%dma_start3A_106 : memref<128x128xf32, #tpu.memory_space<hbm>>) target_semaphore(%arg21 : memref<!tpu.dma_semaphore, #tpu.memory_space<semaphore_mem>>)
    %dma_wait3A_107 = arith.constant 0 : i32
    %dma_wait3A_108 = tpu.memref_slice %arg8[%add3A_102, %dma_wait3A_107] : memref<16384x128xf32, #tpu.memory_space<hbm>> -> memref<128x128xf32, #tpu.memory_space<hbm>>
    %dma_wait3A_109 = arith.constant 0 : i32
    %dma_wait3A_110 = tpu.memref_slice %arg8[%add3A_102, %dma_wait3A_109] : memref<16384x128xf32, #tpu.memory_space<hbm>> -> memref<128x128xf32, #tpu.memory_space<hbm>>
    tpu.wait_dma2 semaphore(%arg21 : memref<!tpu.dma_semaphore, #tpu.memory_space<semaphore_mem>>) src(%arg15 : memref<128x128xf32, #tpu.memory_space<vmem>>) dst(%dma_wait3A_110 : memref<128x128xf32, #tpu.memory_space<hbm>>)
    %dma_start3A_111 = arith.constant 384 : i32
    %dma_start3A_112 = tpu.memref_slice %arg10[%dma_start3A_111] : memref<512xi32, #tpu.memory_space<vmem>> -> memref<128xi32, #tpu.memory_space<vmem>>
    %dma_start3A_113 = arith.constant 0 : i32
    %dma_start3A_114 = arith.constant 0 : i32
    %dma_start3A_115 = tpu.memref_slice %arg4[%dma_start3A_113, %dma_start3A_114] : memref<100000x128xf32, #tpu.memory_space<hbm>> -> memref<100000x128xf32, #tpu.memory_space<hbm>>
    tpu.enqueue_indirect_dma source(%dma_start3A_115 : memref<100000x128xf32, #tpu.memory_space<hbm>>) target(%arg15 : memref<128x128xf32, #tpu.memory_space<vmem>>) offsets(%dma_start3A_112 : memref<128xi32, #tpu.memory_space<vmem>>) semaphore(%arg20 : memref<!tpu.dma_semaphore, #tpu.memory_space<semaphore_mem>>)
    %dma_start3A_116 = arith.constant 384 : i32
    %dma_start3A_117 = tpu.memref_slice %arg11[%dma_start3A_116] : memref<512xi32, #tpu.memory_space<vmem>> -> memref<128xi32, #tpu.memory_space<vmem>>
    %dma_start3A_118 = arith.constant 0 : i32
    %dma_start3A_119 = arith.constant 0 : i32
    %dma_start3A_120 = tpu.memref_slice %arg5[%dma_start3A_118, %dma_start3A_119] : memref<100000x128xf32, #tpu.memory_space<hbm>> -> memref<100000x128xf32, #tpu.memory_space<hbm>>
    tpu.enqueue_indirect_dma source(%dma_start3A_120 : memref<100000x128xf32, #tpu.memory_space<hbm>>) target(%arg16 : memref<128x128xf32, #tpu.memory_space<vmem>>) offsets(%dma_start3A_117 : memref<128xi32, #tpu.memory_space<vmem>>) semaphore(%arg20 : memref<!tpu.dma_semaphore, #tpu.memory_space<semaphore_mem>>)
    %dma_start3A_121 = arith.constant 384 : i32
    %dma_start3A_122 = tpu.memref_slice %arg11[%dma_start3A_121] : memref<512xi32, #tpu.memory_space<vmem>> -> memref<128xi32, #tpu.memory_space<vmem>>
    %dma_start3A_123 = arith.constant 0 : i32
    %dma_start3A_124 = arith.constant 0 : i32
    %dma_start3A_125 = tpu.memref_slice %arg6[%dma_start3A_123, %dma_start3A_124] : memref<100000x128xf32, #tpu.memory_space<hbm>> -> memref<100000x128xf32, #tpu.memory_space<hbm>>
    tpu.enqueue_indirect_dma source(%dma_start3A_125 : memref<100000x128xf32, #tpu.memory_space<hbm>>) target(%arg17 : memref<128x128xf32, #tpu.memory_space<vmem>>) offsets(%dma_start3A_122 : memref<128xi32, #tpu.memory_space<vmem>>) semaphore(%arg20 : memref<!tpu.dma_semaphore, #tpu.memory_space<semaphore_mem>>)
    %dma_wait3A_126 = arith.constant 256 : i32
    %dma_wait3A_127 = tpu.memref_slice %arg10[%dma_wait3A_126] : memref<512xi32, #tpu.memory_space<vmem>> -> memref<128xi32, #tpu.memory_space<vmem>>
    %dma_wait3A_128 = arith.constant 0 : i32
    %dma_wait3A_129 = arith.constant 0 : i32
    %dma_wait3A_130 = tpu.memref_slice %arg4[%dma_wait3A_128, %dma_wait3A_129] : memref<100000x128xf32, #tpu.memory_space<hbm>> -> memref<100000x128xf32, #tpu.memory_space<hbm>>
    tpu.wait_indirect_dma semaphore(%arg19 : memref<!tpu.dma_semaphore, #tpu.memory_space<semaphore_mem>>) src(%dma_wait3A_130 : memref<100000x128xf32, #tpu.memory_space<hbm>>) dst(%arg12 : memref<128x128xf32, #tpu.memory_space<vmem>>)
    %dma_wait3A_131 = arith.constant 256 : i32
    %dma_wait3A_132 = tpu.memref_slice %arg11[%dma_wait3A_131] : memref<512xi32, #tpu.memory_space<vmem>> -> memref<128xi32, #tpu.memory_space<vmem>>
    %dma_wait3A_133 = arith.constant 0 : i32
    %dma_wait3A_134 = arith.constant 0 : i32
    %dma_wait3A_135 = tpu.memref_slice %arg5[%dma_wait3A_133, %dma_wait3A_134] : memref<100000x128xf32, #tpu.memory_space<hbm>> -> memref<100000x128xf32, #tpu.memory_space<hbm>>
    tpu.wait_indirect_dma semaphore(%arg19 : memref<!tpu.dma_semaphore, #tpu.memory_space<semaphore_mem>>) src(%dma_wait3A_135 : memref<100000x128xf32, #tpu.memory_space<hbm>>) dst(%arg13 : memref<128x128xf32, #tpu.memory_space<vmem>>)
    %dma_wait3A_136 = arith.constant 256 : i32
    %dma_wait3A_137 = tpu.memref_slice %arg11[%dma_wait3A_136] : memref<512xi32, #tpu.memory_space<vmem>> -> memref<128xi32, #tpu.memory_space<vmem>>
    %dma_wait3A_138 = arith.constant 0 : i32
    %dma_wait3A_139 = arith.constant 0 : i32
    %dma_wait3A_140 = tpu.memref_slice %arg6[%dma_wait3A_138, %dma_wait3A_139] : memref<100000x128xf32, #tpu.memory_space<hbm>> -> memref<100000x128xf32, #tpu.memory_space<hbm>>
    tpu.wait_indirect_dma semaphore(%arg19 : memref<!tpu.dma_semaphore, #tpu.memory_space<semaphore_mem>>) src(%dma_wait3A_140 : memref<100000x128xf32, #tpu.memory_space<hbm>>) dst(%arg14 : memref<128x128xf32, #tpu.memory_space<vmem>>)
    %scan3A_141 = arith.constant 0 : i32
    %scan3A_142 = arith.constant 0 : i32
    %scan3A_143 = arith.constant 128 : i32
    %scan3A_144 = arith.addi %scan3A_142, %scan3A_143 : i32
    %scan3A_145 = arith.constant 1 : i32
    %scan3A_146 = scf.for %scan3A_192 = %scan3A_142 to %scan3A_144 step %scan3A_145 iter_args(%scan3A_193 = %scan3A_141) -> (i32)  : i32 {
      %get3A = arith.index_cast %scan3A_192 : i32 to index
      %get3A_194 = arith.constant 0 : index
      %get3A_195 = tpu.vector_load %arg12[%get3A, %get3A_194] {strides = array<i32>} : memref<128x128xf32, #tpu.memory_space<vmem>>, vector<1x16xf32>,
      %get3A_196 = vector.shape_cast %get3A_195 : vector<1x16xf32> to vector<16xf32>
      %get3A_197 = arith.index_cast %scan3A_192 : i32 to index
      %get3A_198 = arith.constant 0 : index
      %get3A_199 = tpu.vector_load %arg13[%get3A_197, %get3A_198] {strides = array<i32>} : memref<128x128xf32, #tpu.memory_space<vmem>>, vector<1x16xf32>,
      %get3A_200 = vector.shape_cast %get3A_199 : vector<1x16xf32> to vector<16xf32>
      %get3A_201 = arith.index_cast %scan3A_192 : i32 to index
      %get3A_202 = arith.constant 0 : index
      %get3A_203 = tpu.vector_load %arg14[%get3A_201, %get3A_202] {strides = array<i32>} : memref<128x128xf32, #tpu.memory_space<vmem>>, vector<1x16xf32>,
      %get3A_204 = vector.shape_cast %get3A_203 : vector<1x16xf32> to vector<16xf32>
      %neg3A = arith.constant 0.000000e+00 : f32
      %neg3A_205 = vector.broadcast %neg3A : f32 to vector<16xf32>
      %neg3A_206 = arith.subf %neg3A_205, %get3A_196 : vector<16xf32>
      %exp3A = math.exp %neg3A_206 : vector<16xf32>
      %neg3A_207 = arith.constant 0.000000e+00 : f32
      %neg3A_208 = vector.broadcast %neg3A_207 : f32 to vector<16xf32>
      %neg3A_209 = arith.subf %neg3A_208, %get3A_200 : vector<16xf32>
      %exp3A_210 = math.exp %neg3A_209 : vector<16xf32>
      %sub3A = arith.subf %exp3A_210, %exp3A : vector<16xf32>
      %add3A_211 = arith.constant 1.000000e+00 : f32
      %add3A_212 = vector.broadcast %add3A_211 : f32 to vector<16xf32>
      %add3A_213 = arith.addf %add3A_212, %exp3A : vector<16xf32>
      %add3A_214 = arith.constant 1.000000e+00 : f32
      %add3A_215 = vector.broadcast %add3A_214 : f32 to vector<16xf32>
      %add3A_216 = arith.addf %add3A_215, %exp3A_210 : vector<16xf32>
      %mul3A_217 = arith.mulf %add3A_213, %add3A_216 : vector<16xf32>
      %div3A = arith.divf %sub3A, %mul3A_217 : vector<16xf32>
      %mul3A_218 = arith.mulf %get3A_204, %div3A : vector<16xf32>
      %swap3A = arith.index_cast %scan3A_192 : i32 to index
      %swap3A_219 = arith.constant 0 : index
      %swap3A_220 = tpu.vector_load %arg12[%swap3A, %swap3A_219] {strides = array<i32>} : memref<128x128xf32, #tpu.memory_space<vmem>>, vector<1x16xf32>,
      %swap3A_221 = vector.shape_cast %swap3A_220 : vector<1x16xf32> to vector<16xf32>
      %swap3A_222 = vector.shape_cast %mul3A_218 : vector<16xf32> to vector<1x16xf32>
      tpu.vector_store %arg12[%swap3A, %swap3A_219], %swap3A_222 {strides = array<i32>} : memref<128x128xf32, #tpu.memory_space<vmem>>, vector<1x16xf32>,
      %get3A_223 = arith.index_cast %scan3A_192 : i32 to index
      %get3A_224 = arith.constant 16 : index
      %get3A_225 = tpu.vector_load %arg12[%get3A_223, %get3A_224] {strides = array<i32>} : memref<128x128xf32, #tpu.memory_space<vmem>>, vector<1x16xf32>,
      %get3A_226 = vector.shape_cast %get3A_225 : vector<1x16xf32> to vector<16xf32>
      %get3A_227 = arith.index_cast %scan3A_192 : i32 to index
      %get3A_228 = arith.constant 16 : index
      %get3A_229 = tpu.vector_load %arg13[%get3A_227, %get3A_228] {strides = array<i32>} : memref<128x128xf32, #tpu.memory_space<vmem>>, vector<1x16xf32>,
      %get3A_230 = vector.shape_cast %get3A_229 : vector<1x16xf32> to vector<16xf32>
      %get3A_231 = arith.index_cast %scan3A_192 : i32 to index
      %get3A_232 = arith.constant 16 : index
      %get3A_233 = tpu.vector_load %arg14[%get3A_231, %get3A_232] {strides = array<i32>} : memref<128x128xf32, #tpu.memory_space<vmem>>, vector<1x16xf32>,
      %get3A_234 = vector.shape_cast %get3A_233 : vector<1x16xf32> to vector<16xf32>
      %neg3A_235 = arith.constant 0.000000e+00 : f32
      %neg3A_236 = vector.broadcast %neg3A_235 : f32 to vector<16xf32>
      %neg3A_237 = arith.subf %neg3A_236, %get3A_226 : vector<16xf32>
      %exp3A_238 = math.exp %neg3A_237 : vector<16xf32>
      %neg3A_239 = arith.constant 0.000000e+00 : f32
      %neg3A_240 = vector.broadcast %neg3A_239 : f32 to vector<16xf32>
      %neg3A_241 = arith.subf %neg3A_240, %get3A_230 : vector<16xf32>
      %exp3A_242 = math.exp %neg3A_241 : vector<16xf32>
      %sub3A_243 = arith.subf %exp3A_242, %exp3A_238 : vector<16xf32>
      %add3A_244 = arith.constant 1.000000e+00 : f32
      %add3A_245 = vector.broadcast %add3A_244 : f32 to vector<16xf32>
      %add3A_246 = arith.addf %add3A_245, %exp3A_238 : vector<16xf32>
      %add3A_247 = arith.constant 1.000000e+00 : f32
      %add3A_248 = vector.broadcast %add3A_247 : f32 to vector<16xf32>
      %add3A_249 = arith.addf %add3A_248, %exp3A_242 : vector<16xf32>
      %mul3A_250 = arith.mulf %add3A_246, %add3A_249 : vector<16xf32>
      %div3A_251 = arith.divf %sub3A_243, %mul3A_250 : vector<16xf32>
      %mul3A_252 = arith.mulf %get3A_234, %div3A_251 : vector<16xf32>
      %swap3A_253 = arith.index_cast %scan3A_192 : i32 to index
      %swap3A_254 = arith.constant 16 : index
      %swap3A_255 = tpu.vector_load %arg12[%swap3A_253, %swap3A_254] {strides = array<i32>} : memref<128x128xf32, #tpu.memory_space<vmem>>, vector<1x16xf32>,
      %swap3A_256 = vector.shape_cast %swap3A_255 : vector<1x16xf32> to vector<16xf32>
      %swap3A_257 = vector.shape_cast %mul3A_252 : vector<16xf32> to vector<1x16xf32>
      tpu.vector_store %arg12[%swap3A_253, %swap3A_254], %swap3A_257 {strides = array<i32>} : memref<128x128xf32, #tpu.memory_space<vmem>>, vector<1x16xf32>,
      %get3A_258 = arith.index_cast %scan3A_192 : i32 to index
      %get3A_259 = arith.constant 32 : index
      %get3A_260 = tpu.vector_load %arg12[%get3A_258, %get3A_259] {strides = array<i32>} : memref<128x128xf32, #tpu.memory_space<vmem>>, vector<1x16xf32>,
      %get3A_261 = vector.shape_cast %get3A_260 : vector<1x16xf32> to vector<16xf32>
      %get3A_262 = arith.index_cast %scan3A_192 : i32 to index
      %get3A_263 = arith.constant 32 : index
      %get3A_264 = tpu.vector_load %arg13[%get3A_262, %get3A_263] {strides = array<i32>} : memref<128x128xf32, #tpu.memory_space<vmem>>, vector<1x16xf32>,
      %get3A_265 = vector.shape_cast %get3A_264 : vector<1x16xf32> to vector<16xf32>
      %get3A_266 = arith.index_cast %scan3A_192 : i32 to index
      %get3A_267 = arith.constant 32 : index
      %get3A_268 = tpu.vector_load %arg14[%get3A_266, %get3A_267] {strides = array<i32>} : memref<128x128xf32, #tpu.memory_space<vmem>>, vector<1x16xf32>,
      %get3A_269 = vector.shape_cast %get3A_268 : vector<1x16xf32> to vector<16xf32>
      %neg3A_270 = arith.constant 0.000000e+00 : f32
      %neg3A_271 = vector.broadcast %neg3A_270 : f32 to vector<16xf32>
      %neg3A_272 = arith.subf %neg3A_271, %get3A_261 : vector<16xf32>
      %exp3A_273 = math.exp %neg3A_272 : vector<16xf32>
      %neg3A_274 = arith.constant 0.000000e+00 : f32
      %neg3A_275 = vector.broadcast %neg3A_274 : f32 to vector<16xf32>
      %neg3A_276 = arith.subf %neg3A_275, %get3A_265 : vector<16xf32>
      %exp3A_277 = math.exp %neg3A_276 : vector<16xf32>
      %sub3A_278 = arith.subf %exp3A_277, %exp3A_273 : vector<16xf32>
      %add3A_279 = arith.constant 1.000000e+00 : f32
      %add3A_280 = vector.broadcast %add3A_279 : f32 to vector<16xf32>
      %add3A_281 = arith.addf %add3A_280, %exp3A_273 : vector<16xf32>
      %add3A_282 = arith.constant 1.000000e+00 : f32
      %add3A_283 = vector.broadcast %add3A_282 : f32 to vector<16xf32>
      %add3A_284 = arith.addf %add3A_283, %exp3A_277 : vector<16xf32>
      %mul3A_285 = arith.mulf %add3A_281, %add3A_284 : vector<16xf32>
      %div3A_286 = arith.divf %sub3A_278, %mul3A_285 : vector<16xf32>
      %mul3A_287 = arith.mulf %get3A_269, %div3A_286 : vector<16xf32>
      %swap3A_288 = arith.index_cast %scan3A_192 : i32 to index
      %swap3A_289 = arith.constant 32 : index
      %swap3A_290 = tpu.vector_load %arg12[%swap3A_288, %swap3A_289] {strides = array<i32>} : memref<128x128xf32, #tpu.memory_space<vmem>>, vector<1x16xf32>,
      %swap3A_291 = vector.shape_cast %swap3A_290 : vector<1x16xf32> to vector<16xf32>
      %swap3A_292 = vector.shape_cast %mul3A_287 : vector<16xf32> to vector<1x16xf32>
      tpu.vector_store %arg12[%swap3A_288, %swap3A_289], %swap3A_292 {strides = array<i32>} : memref<128x128xf32, #tpu.memory_space<vmem>>, vector<1x16xf32>,
      %get3A_293 = arith.index_cast %scan3A_192 : i32 to index
      %get3A_294 = arith.constant 48 : index
      %get3A_295 = tpu.vector_load %arg12[%get3A_293, %get3A_294] {strides = array<i32>} : memref<128x128xf32, #tpu.memory_space<vmem>>, vector<1x16xf32>,
      %get3A_296 = vector.shape_cast %get3A_295 : vector<1x16xf32> to vector<16xf32>
      %get3A_297 = arith.index_cast %scan3A_192 : i32 to index
      %get3A_298 = arith.constant 48 : index
      %get3A_299 = tpu.vector_load %arg13[%get3A_297, %get3A_298] {strides = array<i32>} : memref<128x128xf32, #tpu.memory_space<vmem>>, vector<1x16xf32>,
      %get3A_300 = vector.shape_cast %get3A_299 : vector<1x16xf32> to vector<16xf32>
      %get3A_301 = arith.index_cast %scan3A_192 : i32 to index
      %get3A_302 = arith.constant 48 : index
      %get3A_303 = tpu.vector_load %arg14[%get3A_301, %get3A_302] {strides = array<i32>} : memref<128x128xf32, #tpu.memory_space<vmem>>, vector<1x16xf32>,
      %get3A_304 = vector.shape_cast %get3A_303 : vector<1x16xf32> to vector<16xf32>
      %neg3A_305 = arith.constant 0.000000e+00 : f32
      %neg3A_306 = vector.broadcast %neg3A_305 : f32 to vector<16xf32>
      %neg3A_307 = arith.subf %neg3A_306, %get3A_296 : vector<16xf32>
      %exp3A_308 = math.exp %neg3A_307 : vector<16xf32>
      %neg3A_309 = arith.constant 0.000000e+00 : f32
      %neg3A_310 = vector.broadcast %neg3A_309 : f32 to vector<16xf32>
      %neg3A_311 = arith.subf %neg3A_310, %get3A_300 : vector<16xf32>
      %exp3A_312 = math.exp %neg3A_311 : vector<16xf32>
      %sub3A_313 = arith.subf %exp3A_312, %exp3A_308 : vector<16xf32>
      %add3A_314 = arith.constant 1.000000e+00 : f32
      %add3A_315 = vector.broadcast %add3A_314 : f32 to vector<16xf32>
      %add3A_316 = arith.addf %add3A_315, %exp3A_308 : vector<16xf32>
      %add3A_317 = arith.constant 1.000000e+00 : f32
      %add3A_318 = vector.broadcast %add3A_317 : f32 to vector<16xf32>
      %add3A_319 = arith.addf %add3A_318, %exp3A_312 : vector<16xf32>
      %mul3A_320 = arith.mulf %add3A_316, %add3A_319 : vector<16xf32>
      %div3A_321 = arith.divf %sub3A_313, %mul3A_320 : vector<16xf32>
      %mul3A_322 = arith.mulf %get3A_304, %div3A_321 : vector<16xf32>
      %swap3A_323 = arith.index_cast %scan3A_192 : i32 to index
      %swap3A_324 = arith.constant 48 : index
      %swap3A_325 = tpu.vector_load %arg12[%swap3A_323, %swap3A_324] {strides = array<i32>} : memref<128x128xf32, #tpu.memory_space<vmem>>, vector<1x16xf32>,
      %swap3A_326 = vector.shape_cast %swap3A_325 : vector<1x16xf32> to vector<16xf32>
      %swap3A_327 = vector.shape_cast %mul3A_322 : vector<16xf32> to vector<1x16xf32>
      tpu.vector_store %arg12[%swap3A_323, %swap3A_324], %swap3A_327 {strides = array<i32>} : memref<128x128xf32, #tpu.memory_space<vmem>>, vector<1x16xf32>,
      %get3A_328 = arith.index_cast %scan3A_192 : i32 to index
      %get3A_329 = arith.constant 64 : index
      %get3A_330 = tpu.vector_load %arg12[%get3A_328, %get3A_329] {strides = array<i32>} : memref<128x128xf32, #tpu.memory_space<vmem>>, vector<1x16xf32>,
      %get3A_331 = vector.shape_cast %get3A_330 : vector<1x16xf32> to vector<16xf32>
      %get3A_332 = arith.index_cast %scan3A_192 : i32 to index
      %get3A_333 = arith.constant 64 : index
      %get3A_334 = tpu.vector_load %arg13[%get3A_332, %get3A_333] {strides = array<i32>} : memref<128x128xf32, #tpu.memory_space<vmem>>, vector<1x16xf32>,
      %get3A_335 = vector.shape_cast %get3A_334 : vector<1x16xf32> to vector<16xf32>
      %get3A_336 = arith.index_cast %scan3A_192 : i32 to index
      %get3A_337 = arith.constant 64 : index
      %get3A_338 = tpu.vector_load %arg14[%get3A_336, %get3A_337] {strides = array<i32>} : memref<128x128xf32, #tpu.memory_space<vmem>>, vector<1x16xf32>,
      %get3A_339 = vector.shape_cast %get3A_338 : vector<1x16xf32> to vector<16xf32>
      %neg3A_340 = arith.constant 0.000000e+00 : f32
      %neg3A_341 = vector.broadcast %neg3A_340 : f32 to vector<16xf32>
      %neg3A_342 = arith.subf %neg3A_341, %get3A_331 : vector<16xf32>
      %exp3A_343 = math.exp %neg3A_342 : vector<16xf32>
      %neg3A_344 = arith.constant 0.000000e+00 : f32
      %neg3A_345 = vector.broadcast %neg3A_344 : f32 to vector<16xf32>
      %neg3A_346 = arith.subf %neg3A_345, %get3A_335 : vector<16xf32>
      %exp3A_347 = math.exp %neg3A_346 : vector<16xf32>
      %sub3A_348 = arith.subf %exp3A_347, %exp3A_343 : vector<16xf32>
      %add3A_349 = arith.constant 1.000000e+00 : f32
      %add3A_350 = vector.broadcast %add3A_349 : f32 to vector<16xf32>
      %add3A_351 = arith.addf %add3A_350, %exp3A_343 : vector<16xf32>
      %add3A_352 = arith.constant 1.000000e+00 : f32
      %add3A_353 = vector.broadcast %add3A_352 : f32 to vector<16xf32>
      %add3A_354 = arith.addf %add3A_353, %exp3A_347 : vector<16xf32>
      %mul3A_355 = arith.mulf %add3A_351, %add3A_354 : vector<16xf32>
      %div3A_356 = arith.divf %sub3A_348, %mul3A_355 : vector<16xf32>
      %mul3A_357 = arith.mulf %get3A_339, %div3A_356 : vector<16xf32>
      %swap3A_358 = arith.index_cast %scan3A_192 : i32 to index
      %swap3A_359 = arith.constant 64 : index
      %swap3A_360 = tpu.vector_load %arg12[%swap3A_358, %swap3A_359] {strides = array<i32>} : memref<128x128xf32, #tpu.memory_space<vmem>>, vector<1x16xf32>,
      %swap3A_361 = vector.shape_cast %swap3A_360 : vector<1x16xf32> to vector<16xf32>
      %swap3A_362 = vector.shape_cast %mul3A_357 : vector<16xf32> to vector<1x16xf32>
      tpu.vector_store %arg12[%swap3A_358, %swap3A_359], %swap3A_362 {strides = array<i32>} : memref<128x128xf32, #tpu.memory_space<vmem>>, vector<1x16xf32>,
      %get3A_363 = arith.index_cast %scan3A_192 : i32 to index
      %get3A_364 = arith.constant 80 : index
      %get3A_365 = tpu.vector_load %arg12[%get3A_363, %get3A_364] {strides = array<i32>} : memref<128x128xf32, #tpu.memory_space<vmem>>, vector<1x16xf32>,
      %get3A_366 = vector.shape_cast %get3A_365 : vector<1x16xf32> to vector<16xf32>
      %get3A_367 = arith.index_cast %scan3A_192 : i32 to index
      %get3A_368 = arith.constant 80 : index
      %get3A_369 = tpu.vector_load %arg13[%get3A_367, %get3A_368] {strides = array<i32>} : memref<128x128xf32, #tpu.memory_space<vmem>>, vector<1x16xf32>,
      %get3A_370 = vector.shape_cast %get3A_369 : vector<1x16xf32> to vector<16xf32>
      %get3A_371 = arith.index_cast %scan3A_192 : i32 to index
      %get3A_372 = arith.constant 80 : index
      %get3A_373 = tpu.vector_load %arg14[%get3A_371, %get3A_372] {strides = array<i32>} : memref<128x128xf32, #tpu.memory_space<vmem>>, vector<1x16xf32>,
      %get3A_374 = vector.shape_cast %get3A_373 : vector<1x16xf32> to vector<16xf32>
      %neg3A_375 = arith.constant 0.000000e+00 : f32
      %neg3A_376 = vector.broadcast %neg3A_375 : f32 to vector<16xf32>
      %neg3A_377 = arith.subf %neg3A_376, %get3A_366 : vector<16xf32>
      %exp3A_378 = math.exp %neg3A_377 : vector<16xf32>
      %neg3A_379 = arith.constant 0.000000e+00 : f32
      %neg3A_380 = vector.broadcast %neg3A_379 : f32 to vector<16xf32>
      %neg3A_381 = arith.subf %neg3A_380, %get3A_370 : vector<16xf32>
      %exp3A_382 = math.exp %neg3A_381 : vector<16xf32>
      %sub3A_383 = arith.subf %exp3A_382, %exp3A_378 : vector<16xf32>
      %add3A_384 = arith.constant 1.000000e+00 : f32
      %add3A_385 = vector.broadcast %add3A_384 : f32 to vector<16xf32>
      %add3A_386 = arith.addf %add3A_385, %exp3A_378 : vector<16xf32>
      %add3A_387 = arith.constant 1.000000e+00 : f32
      %add3A_388 = vector.broadcast %add3A_387 : f32 to vector<16xf32>
      %add3A_389 = arith.addf %add3A_388, %exp3A_382 : vector<16xf32>
      %mul3A_390 = arith.mulf %add3A_386, %add3A_389 : vector<16xf32>
      %div3A_391 = arith.divf %sub3A_383, %mul3A_390 : vector<16xf32>
      %mul3A_392 = arith.mulf %get3A_374, %div3A_391 : vector<16xf32>
      %swap3A_393 = arith.index_cast %scan3A_192 : i32 to index
      %swap3A_394 = arith.constant 80 : index
      %swap3A_395 = tpu.vector_load %arg12[%swap3A_393, %swap3A_394] {strides = array<i32>} : memref<128x128xf32, #tpu.memory_space<vmem>>, vector<1x16xf32>,
      %swap3A_396 = vector.shape_cast %swap3A_395 : vector<1x16xf32> to vector<16xf32>
      %swap3A_397 = vector.shape_cast %mul3A_392 : vector<16xf32> to vector<1x16xf32>
      tpu.vector_store %arg12[%swap3A_393, %swap3A_394], %swap3A_397 {strides = array<i32>} : memref<128x128xf32, #tpu.memory_space<vmem>>, vector<1x16xf32>,
      %get3A_398 = arith.index_cast %scan3A_192 : i32 to index
      %get3A_399 = arith.constant 96 : index
      %get3A_400 = tpu.vector_load %arg12[%get3A_398, %get3A_399] {strides = array<i32>} : memref<128x128xf32, #tpu.memory_space<vmem>>, vector<1x16xf32>,
      %get3A_401 = vector.shape_cast %get3A_400 : vector<1x16xf32> to vector<16xf32>
      %get3A_402 = arith.index_cast %scan3A_192 : i32 to index
      %get3A_403 = arith.constant 96 : index
      %get3A_404 = tpu.vector_load %arg13[%get3A_402, %get3A_403] {strides = array<i32>} : memref<128x128xf32, #tpu.memory_space<vmem>>, vector<1x16xf32>,
      %get3A_405 = vector.shape_cast %get3A_404 : vector<1x16xf32> to vector<16xf32>
      %get3A_406 = arith.index_cast %scan3A_192 : i32 to index
      %get3A_407 = arith.constant 96 : index
      %get3A_408 = tpu.vector_load %arg14[%get3A_406, %get3A_407] {strides = array<i32>} : memref<128x128xf32, #tpu.memory_space<vmem>>, vector<1x16xf32>,
      %get3A_409 = vector.shape_cast %get3A_408 : vector<1x16xf32> to vector<16xf32>
      %neg3A_410 = arith.constant 0.000000e+00 : f32
      %neg3A_411 = vector.broadcast %neg3A_410 : f32 to vector<16xf32>
      %neg3A_412 = arith.subf %neg3A_411, %get3A_401 : vector<16xf32>
      %exp3A_413 = math.exp %neg3A_412 : vector<16xf32>
      %neg3A_414 = arith.constant 0.000000e+00 : f32
      %neg3A_415 = vector.broadcast %neg3A_414 : f32 to vector<16xf32>
      %neg3A_416 = arith.subf %neg3A_415, %get3A_405 : vector<16xf32>
      %exp3A_417 = math.exp %neg3A_416 : vector<16xf32>
      %sub3A_418 = arith.subf %exp3A_417, %exp3A_413 : vector<16xf32>
      %add3A_419 = arith.constant 1.000000e+00 : f32
      %add3A_420 = vector.broadcast %add3A_419 : f32 to vector<16xf32>
      %add3A_421 = arith.addf %add3A_420, %exp3A_413 : vector<16xf32>
      %add3A_422 = arith.constant 1.000000e+00 : f32
      %add3A_423 = vector.broadcast %add3A_422 : f32 to vector<16xf32>
      %add3A_424 = arith.addf %add3A_423, %exp3A_417 : vector<16xf32>
      %mul3A_425 = arith.mulf %add3A_421, %add3A_424 : vector<16xf32>
      %div3A_426 = arith.divf %sub3A_418, %mul3A_425 : vector<16xf32>
      %mul3A_427 = arith.mulf %get3A_409, %div3A_426 : vector<16xf32>
      %swap3A_428 = arith.index_cast %scan3A_192 : i32 to index
      %swap3A_429 = arith.constant 96 : index
      %swap3A_430 = tpu.vector_load %arg12[%swap3A_428, %swap3A_429] {strides = array<i32>} : memref<128x128xf32, #tpu.memory_space<vmem>>, vector<1x16xf32>,
      %swap3A_431 = vector.shape_cast %swap3A_430 : vector<1x16xf32> to vector<16xf32>
      %swap3A_432 = vector.shape_cast %mul3A_427 : vector<16xf32> to vector<1x16xf32>
      tpu.vector_store %arg12[%swap3A_428, %swap3A_429], %swap3A_432 {strides = array<i32>} : memref<128x128xf32, #tpu.memory_space<vmem>>, vector<1x16xf32>,
      %get3A_433 = arith.index_cast %scan3A_192 : i32 to index
      %get3A_434 = arith.constant 112 : index
      %get3A_435 = tpu.vector_load %arg12[%get3A_433, %get3A_434] {strides = array<i32>} : memref<128x128xf32, #tpu.memory_space<vmem>>, vector<1x16xf32>,
      %get3A_436 = vector.shape_cast %get3A_435 : vector<1x16xf32> to vector<16xf32>
      %get3A_437 = arith.index_cast %scan3A_192 : i32 to index
      %get3A_438 = arith.constant 112 : index
      %get3A_439 = tpu.vector_load %arg13[%get3A_437, %get3A_438] {strides = array<i32>} : memref<128x128xf32, #tpu.memory_space<vmem>>, vector<1x16xf32>,
      %get3A_440 = vector.shape_cast %get3A_439 : vector<1x16xf32> to vector<16xf32>
      %get3A_441 = arith.index_cast %scan3A_192 : i32 to index
      %get3A_442 = arith.constant 112 : index
      %get3A_443 = tpu.vector_load %arg14[%get3A_441, %get3A_442] {strides = array<i32>} : memref<128x128xf32, #tpu.memory_space<vmem>>, vector<1x16xf32>,
      %get3A_444 = vector.shape_cast %get3A_443 : vector<1x16xf32> to vector<16xf32>
      %neg3A_445 = arith.constant 0.000000e+00 : f32
      %neg3A_446 = vector.broadcast %neg3A_445 : f32 to vector<16xf32>
      %neg3A_447 = arith.subf %neg3A_446, %get3A_436 : vector<16xf32>
      %exp3A_448 = math.exp %neg3A_447 : vector<16xf32>
      %neg3A_449 = arith.constant 0.000000e+00 : f32
      %neg3A_450 = vector.broadcast %neg3A_449 : f32 to vector<16xf32>
      %neg3A_451 = arith.subf %neg3A_450, %get3A_440 : vector<16xf32>
      %exp3A_452 = math.exp %neg3A_451 : vector<16xf32>
      %sub3A_453 = arith.subf %exp3A_452, %exp3A_448 : vector<16xf32>
      %add3A_454 = arith.constant 1.000000e+00 : f32
      %add3A_455 = vector.broadcast %add3A_454 : f32 to vector<16xf32>
      %add3A_456 = arith.addf %add3A_455, %exp3A_448 : vector<16xf32>
      %add3A_457 = arith.constant 1.000000e+00 : f32
      %add3A_458 = vector.broadcast %add3A_457 : f32 to vector<16xf32>
      %add3A_459 = arith.addf %add3A_458, %exp3A_452 : vector<16xf32>
      %mul3A_460 = arith.mulf %add3A_456, %add3A_459 : vector<16xf32>
      %div3A_461 = arith.divf %sub3A_453, %mul3A_460 : vector<16xf32>
      %mul3A_462 = arith.mulf %get3A_444, %div3A_461 : vector<16xf32>
      %swap3A_463 = arith.index_cast %scan3A_192 : i32 to index
      %swap3A_464 = arith.constant 112 : index
      %swap3A_465 = tpu.vector_load %arg12[%swap3A_463, %swap3A_464] {strides = array<i32>} : memref<128x128xf32, #tpu.memory_space<vmem>>, vector<1x16xf32>,
      %swap3A_466 = vector.shape_cast %swap3A_465 : vector<1x16xf32> to vector<16xf32>
      %swap3A_467 = vector.shape_cast %mul3A_462 : vector<16xf32> to vector<1x16xf32>
      tpu.vector_store %arg12[%swap3A_463, %swap3A_464], %swap3A_467 {strides = array<i32>} : memref<128x128xf32, #tpu.memory_space<vmem>>, vector<1x16xf32>,
      %scan3A_468 = arith.constant 0 : i32
      scf.yield %scan3A_468 : i32
    }
    %scan3A_147 = arith.constant 128 : i32
    %add3A_148 = arith.constant 256 : i32
    %add3A_149 = arith.addi %mul3A_2, %add3A_148 : i32
    %dma_start3A_150 = arith.constant 0 : i32
    %dma_start3A_151 = tpu.memref_slice %arg8[%add3A_149, %dma_start3A_150] : memref<16384x128xf32, #tpu.memory_space<hbm>> -> memref<128x128xf32, #tpu.memory_space<hbm>>
    %dma_start3A_152 = arith.constant 0 : i32
    %dma_start3A_153 = tpu.memref_slice %arg8[%add3A_149, %dma_start3A_152] : memref<16384x128xf32, #tpu.memory_space<hbm>> -> memref<128x128xf32, #tpu.memory_space<hbm>>
    tpu.enqueue_dma source(%arg12 : memref<128x128xf32, #tpu.memory_space<vmem>>) target(%dma_start3A_153 : memref<128x128xf32, #tpu.memory_space<hbm>>) target_semaphore(%arg21 : memref<!tpu.dma_semaphore, #tpu.memory_space<semaphore_mem>>)
    %dma_wait3A_154 = arith.constant 384 : i32
    %dma_wait3A_155 = tpu.memref_slice %arg10[%dma_wait3A_154] : memref<512xi32, #tpu.memory_space<vmem>> -> memref<128xi32, #tpu.memory_space<vmem>>
    %dma_wait3A_156 = arith.constant 0 : i32
    %dma_wait3A_157 = arith.constant 0 : i32
    %dma_wait3A_158 = tpu.memref_slice %arg4[%dma_wait3A_156, %dma_wait3A_157] : memref<100000x128xf32, #tpu.memory_space<hbm>> -> memref<100000x128xf32, #tpu.memory_space<hbm>>
    tpu.wait_indirect_dma semaphore(%arg20 : memref<!tpu.dma_semaphore, #tpu.memory_space<semaphore_mem>>) src(%dma_wait3A_158 : memref<100000x128xf32, #tpu.memory_space<hbm>>) dst(%arg15 : memref<128x128xf32, #tpu.memory_space<vmem>>)
    %dma_wait3A_159 = arith.constant 384 : i32
    %dma_wait3A_160 = tpu.memref_slice %arg11[%dma_wait3A_159] : memref<512xi32, #tpu.memory_space<vmem>> -> memref<128xi32, #tpu.memory_space<vmem>>
    %dma_wait3A_161 = arith.constant 0 : i32
    %dma_wait3A_162 = arith.constant 0 : i32
    %dma_wait3A_163 = tpu.memref_slice %arg5[%dma_wait3A_161, %dma_wait3A_162] : memref<100000x128xf32, #tpu.memory_space<hbm>> -> memref<100000x128xf32, #tpu.memory_space<hbm>>
    tpu.wait_indirect_dma semaphore(%arg20 : memref<!tpu.dma_semaphore, #tpu.memory_space<semaphore_mem>>) src(%dma_wait3A_163 : memref<100000x128xf32, #tpu.memory_space<hbm>>) dst(%arg16 : memref<128x128xf32, #tpu.memory_space<vmem>>)
    %dma_wait3A_164 = arith.constant 384 : i32
    %dma_wait3A_165 = tpu.memref_slice %arg11[%dma_wait3A_164] : memref<512xi32, #tpu.memory_space<vmem>> -> memref<128xi32, #tpu.memory_space<vmem>>
    %dma_wait3A_166 = arith.constant 0 : i32
    %dma_wait3A_167 = arith.constant 0 : i32
    %dma_wait3A_168 = tpu.memref_slice %arg6[%dma_wait3A_166, %dma_wait3A_167] : memref<100000x128xf32, #tpu.memory_space<hbm>> -> memref<100000x128xf32, #tpu.memory_space<hbm>>
    tpu.wait_indirect_dma semaphore(%arg20 : memref<!tpu.dma_semaphore, #tpu.memory_space<semaphore_mem>>) src(%dma_wait3A_168 : memref<100000x128xf32, #tpu.memory_space<hbm>>) dst(%arg17 : memref<128x128xf32, #tpu.memory_space<vmem>>)
    %scan3A_169 = arith.constant 0 : i32
    %scan3A_170 = arith.constant 0 : i32
    %scan3A_171 = arith.constant 128 : i32
    %scan3A_172 = arith.addi %scan3A_170, %scan3A_171 : i32
    %scan3A_173 = arith.constant 1 : i32
    %scan3A_174 = scf.for %scan3A_192 = %scan3A_170 to %scan3A_172 step %scan3A_173 iter_args(%scan3A_193 = %scan3A_169) -> (i32)  : i32 {
      %get3A = arith.index_cast %scan3A_192 : i32 to index
      %get3A_194 = arith.constant 0 : index
      %get3A_195 = tpu.vector_load %arg15[%get3A, %get3A_194] {strides = array<i32>} : memref<128x128xf32, #tpu.memory_space<vmem>>, vector<1x16xf32>,
      %get3A_196 = vector.shape_cast %get3A_195 : vector<1x16xf32> to vector<16xf32>
      %get3A_197 = arith.index_cast %scan3A_192 : i32 to index
      %get3A_198 = arith.constant 0 : index
      %get3A_199 = tpu.vector_load %arg16[%get3A_197, %get3A_198] {strides = array<i32>} : memref<128x128xf32, #tpu.memory_space<vmem>>, vector<1x16xf32>,
      %get3A_200 = vector.shape_cast %get3A_199 : vector<1x16xf32> to vector<16xf32>
      %get3A_201 = arith.index_cast %scan3A_192 : i32 to index
      %get3A_202 = arith.constant 0 : index
      %get3A_203 = tpu.vector_load %arg17[%get3A_201, %get3A_202] {strides = array<i32>} : memref<128x128xf32, #tpu.memory_space<vmem>>, vector<1x16xf32>,
      %get3A_204 = vector.shape_cast %get3A_203 : vector<1x16xf32> to vector<16xf32>
      %neg3A = arith.constant 0.000000e+00 : f32
      %neg3A_205 = vector.broadcast %neg3A : f32 to vector<16xf32>
      %neg3A_206 = arith.subf %neg3A_205, %get3A_196 : vector<16xf32>
      %exp3A = math.exp %neg3A_206 : vector<16xf32>
      %neg3A_207 = arith.constant 0.000000e+00 : f32
      %neg3A_208 = vector.broadcast %neg3A_207 : f32 to vector<16xf32>
      %neg3A_209 = arith.subf %neg3A_208, %get3A_200 : vector<16xf32>
      %exp3A_210 = math.exp %neg3A_209 : vector<16xf32>
      %sub3A = arith.subf %exp3A_210, %exp3A : vector<16xf32>
      %add3A_211 = arith.constant 1.000000e+00 : f32
      %add3A_212 = vector.broadcast %add3A_211 : f32 to vector<16xf32>
      %add3A_213 = arith.addf %add3A_212, %exp3A : vector<16xf32>
      %add3A_214 = arith.constant 1.000000e+00 : f32
      %add3A_215 = vector.broadcast %add3A_214 : f32 to vector<16xf32>
      %add3A_216 = arith.addf %add3A_215, %exp3A_210 : vector<16xf32>
      %mul3A_217 = arith.mulf %add3A_213, %add3A_216 : vector<16xf32>
      %div3A = arith.divf %sub3A, %mul3A_217 : vector<16xf32>
      %mul3A_218 = arith.mulf %get3A_204, %div3A : vector<16xf32>
      %swap3A = arith.index_cast %scan3A_192 : i32 to index
      %swap3A_219 = arith.constant 0 : index
      %swap3A_220 = tpu.vector_load %arg15[%swap3A, %swap3A_219] {strides = array<i32>} : memref<128x128xf32, #tpu.memory_space<vmem>>, vector<1x16xf32>,
      %swap3A_221 = vector.shape_cast %swap3A_220 : vector<1x16xf32> to vector<16xf32>
      %swap3A_222 = vector.shape_cast %mul3A_218 : vector<16xf32> to vector<1x16xf32>
      tpu.vector_store %arg15[%swap3A, %swap3A_219], %swap3A_222 {strides = array<i32>} : memref<128x128xf32, #tpu.memory_space<vmem>>, vector<1x16xf32>,
      %get3A_223 = arith.index_cast %scan3A_192 : i32 to index
      %get3A_224 = arith.constant 16 : index
      %get3A_225 = tpu.vector_load %arg15[%get3A_223, %get3A_224] {strides = array<i32>} : memref<128x128xf32, #tpu.memory_space<vmem>>, vector<1x16xf32>,
      %get3A_226 = vector.shape_cast %get3A_225 : vector<1x16xf32> to vector<16xf32>
      %get3A_227 = arith.index_cast %scan3A_192 : i32 to index
      %get3A_228 = arith.constant 16 : index
      %get3A_229 = tpu.vector_load %arg16[%get3A_227, %get3A_228] {strides = array<i32>} : memref<128x128xf32, #tpu.memory_space<vmem>>, vector<1x16xf32>,
      %get3A_230 = vector.shape_cast %get3A_229 : vector<1x16xf32> to vector<16xf32>
      %get3A_231 = arith.index_cast %scan3A_192 : i32 to index
      %get3A_232 = arith.constant 16 : index
      %get3A_233 = tpu.vector_load %arg17[%get3A_231, %get3A_232] {strides = array<i32>} : memref<128x128xf32, #tpu.memory_space<vmem>>, vector<1x16xf32>,
      %get3A_234 = vector.shape_cast %get3A_233 : vector<1x16xf32> to vector<16xf32>
      %neg3A_235 = arith.constant 0.000000e+00 : f32
      %neg3A_236 = vector.broadcast %neg3A_235 : f32 to vector<16xf32>
      %neg3A_237 = arith.subf %neg3A_236, %get3A_226 : vector<16xf32>
      %exp3A_238 = math.exp %neg3A_237 : vector<16xf32>
      %neg3A_239 = arith.constant 0.000000e+00 : f32
      %neg3A_240 = vector.broadcast %neg3A_239 : f32 to vector<16xf32>
      %neg3A_241 = arith.subf %neg3A_240, %get3A_230 : vector<16xf32>
      %exp3A_242 = math.exp %neg3A_241 : vector<16xf32>
      %sub3A_243 = arith.subf %exp3A_242, %exp3A_238 : vector<16xf32>
      %add3A_244 = arith.constant 1.000000e+00 : f32
      %add3A_245 = vector.broadcast %add3A_244 : f32 to vector<16xf32>
      %add3A_246 = arith.addf %add3A_245, %exp3A_238 : vector<16xf32>
      %add3A_247 = arith.constant 1.000000e+00 : f32
      %add3A_248 = vector.broadcast %add3A_247 : f32 to vector<16xf32>
      %add3A_249 = arith.addf %add3A_248, %exp3A_242 : vector<16xf32>
      %mul3A_250 = arith.mulf %add3A_246, %add3A_249 : vector<16xf32>
      %div3A_251 = arith.divf %sub3A_243, %mul3A_250 : vector<16xf32>
      %mul3A_252 = arith.mulf %get3A_234, %div3A_251 : vector<16xf32>
      %swap3A_253 = arith.index_cast %scan3A_192 : i32 to index
      %swap3A_254 = arith.constant 16 : index
      %swap3A_255 = tpu.vector_load %arg15[%swap3A_253, %swap3A_254] {strides = array<i32>} : memref<128x128xf32, #tpu.memory_space<vmem>>, vector<1x16xf32>,
      %swap3A_256 = vector.shape_cast %swap3A_255 : vector<1x16xf32> to vector<16xf32>
      %swap3A_257 = vector.shape_cast %mul3A_252 : vector<16xf32> to vector<1x16xf32>
      tpu.vector_store %arg15[%swap3A_253, %swap3A_254], %swap3A_257 {strides = array<i32>} : memref<128x128xf32, #tpu.memory_space<vmem>>, vector<1x16xf32>,
      %get3A_258 = arith.index_cast %scan3A_192 : i32 to index
      %get3A_259 = arith.constant 32 : index
      %get3A_260 = tpu.vector_load %arg15[%get3A_258, %get3A_259] {strides = array<i32>} : memref<128x128xf32, #tpu.memory_space<vmem>>, vector<1x16xf32>,
      %get3A_261 = vector.shape_cast %get3A_260 : vector<1x16xf32> to vector<16xf32>
      %get3A_262 = arith.index_cast %scan3A_192 : i32 to index
      %get3A_263 = arith.constant 32 : index
      %get3A_264 = tpu.vector_load %arg16[%get3A_262, %get3A_263] {strides = array<i32>} : memref<128x128xf32, #tpu.memory_space<vmem>>, vector<1x16xf32>,
      %get3A_265 = vector.shape_cast %get3A_264 : vector<1x16xf32> to vector<16xf32>
      %get3A_266 = arith.index_cast %scan3A_192 : i32 to index
      %get3A_267 = arith.constant 32 : index
      %get3A_268 = tpu.vector_load %arg17[%get3A_266, %get3A_267] {strides = array<i32>} : memref<128x128xf32, #tpu.memory_space<vmem>>, vector<1x16xf32>,
      %get3A_269 = vector.shape_cast %get3A_268 : vector<1x16xf32> to vector<16xf32>
      %neg3A_270 = arith.constant 0.000000e+00 : f32
      %neg3A_271 = vector.broadcast %neg3A_270 : f32 to vector<16xf32>
      %neg3A_272 = arith.subf %neg3A_271, %get3A_261 : vector<16xf32>
      %exp3A_273 = math.exp %neg3A_272 : vector<16xf32>
      %neg3A_274 = arith.constant 0.000000e+00 : f32
      %neg3A_275 = vector.broadcast %neg3A_274 : f32 to vector<16xf32>
      %neg3A_276 = arith.subf %neg3A_275, %get3A_265 : vector<16xf32>
      %exp3A_277 = math.exp %neg3A_276 : vector<16xf32>
      %sub3A_278 = arith.subf %exp3A_277, %exp3A_273 : vector<16xf32>
      %add3A_279 = arith.constant 1.000000e+00 : f32
      %add3A_280 = vector.broadcast %add3A_279 : f32 to vector<16xf32>
      %add3A_281 = arith.addf %add3A_280, %exp3A_273 : vector<16xf32>
      %add3A_282 = arith.constant 1.000000e+00 : f32
      %add3A_283 = vector.broadcast %add3A_282 : f32 to vector<16xf32>
      %add3A_284 = arith.addf %add3A_283, %exp3A_277 : vector<16xf32>
      %mul3A_285 = arith.mulf %add3A_281, %add3A_284 : vector<16xf32>
      %div3A_286 = arith.divf %sub3A_278, %mul3A_285 : vector<16xf32>
      %mul3A_287 = arith.mulf %get3A_269, %div3A_286 : vector<16xf32>
      %swap3A_288 = arith.index_cast %scan3A_192 : i32 to index
      %swap3A_289 = arith.constant 32 : index
      %swap3A_290 = tpu.vector_load %arg15[%swap3A_288, %swap3A_289] {strides = array<i32>} : memref<128x128xf32, #tpu.memory_space<vmem>>, vector<1x16xf32>,
      %swap3A_291 = vector.shape_cast %swap3A_290 : vector<1x16xf32> to vector<16xf32>
      %swap3A_292 = vector.shape_cast %mul3A_287 : vector<16xf32> to vector<1x16xf32>
      tpu.vector_store %arg15[%swap3A_288, %swap3A_289], %swap3A_292 {strides = array<i32>} : memref<128x128xf32, #tpu.memory_space<vmem>>, vector<1x16xf32>,
      %get3A_293 = arith.index_cast %scan3A_192 : i32 to index
      %get3A_294 = arith.constant 48 : index
      %get3A_295 = tpu.vector_load %arg15[%get3A_293, %get3A_294] {strides = array<i32>} : memref<128x128xf32, #tpu.memory_space<vmem>>, vector<1x16xf32>,
      %get3A_296 = vector.shape_cast %get3A_295 : vector<1x16xf32> to vector<16xf32>
      %get3A_297 = arith.index_cast %scan3A_192 : i32 to index
      %get3A_298 = arith.constant 48 : index
      %get3A_299 = tpu.vector_load %arg16[%get3A_297, %get3A_298] {strides = array<i32>} : memref<128x128xf32, #tpu.memory_space<vmem>>, vector<1x16xf32>,
      %get3A_300 = vector.shape_cast %get3A_299 : vector<1x16xf32> to vector<16xf32>
      %get3A_301 = arith.index_cast %scan3A_192 : i32 to index
      %get3A_302 = arith.constant 48 : index
      %get3A_303 = tpu.vector_load %arg17[%get3A_301, %get3A_302] {strides = array<i32>} : memref<128x128xf32, #tpu.memory_space<vmem>>, vector<1x16xf32>,
      %get3A_304 = vector.shape_cast %get3A_303 : vector<1x16xf32> to vector<16xf32>
      %neg3A_305 = arith.constant 0.000000e+00 : f32
      %neg3A_306 = vector.broadcast %neg3A_305 : f32 to vector<16xf32>
      %neg3A_307 = arith.subf %neg3A_306, %get3A_296 : vector<16xf32>
      %exp3A_308 = math.exp %neg3A_307 : vector<16xf32>
      %neg3A_309 = arith.constant 0.000000e+00 : f32
      %neg3A_310 = vector.broadcast %neg3A_309 : f32 to vector<16xf32>
      %neg3A_311 = arith.subf %neg3A_310, %get3A_300 : vector<16xf32>
      %exp3A_312 = math.exp %neg3A_311 : vector<16xf32>
      %sub3A_313 = arith.subf %exp3A_312, %exp3A_308 : vector<16xf32>
      %add3A_314 = arith.constant 1.000000e+00 : f32
      %add3A_315 = vector.broadcast %add3A_314 : f32 to vector<16xf32>
      %add3A_316 = arith.addf %add3A_315, %exp3A_308 : vector<16xf32>
      %add3A_317 = arith.constant 1.000000e+00 : f32
      %add3A_318 = vector.broadcast %add3A_317 : f32 to vector<16xf32>
      %add3A_319 = arith.addf %add3A_318, %exp3A_312 : vector<16xf32>
      %mul3A_320 = arith.mulf %add3A_316, %add3A_319 : vector<16xf32>
      %div3A_321 = arith.divf %sub3A_313, %mul3A_320 : vector<16xf32>
      %mul3A_322 = arith.mulf %get3A_304, %div3A_321 : vector<16xf32>
      %swap3A_323 = arith.index_cast %scan3A_192 : i32 to index
      %swap3A_324 = arith.constant 48 : index
      %swap3A_325 = tpu.vector_load %arg15[%swap3A_323, %swap3A_324] {strides = array<i32>} : memref<128x128xf32, #tpu.memory_space<vmem>>, vector<1x16xf32>,
      %swap3A_326 = vector.shape_cast %swap3A_325 : vector<1x16xf32> to vector<16xf32>
      %swap3A_327 = vector.shape_cast %mul3A_322 : vector<16xf32> to vector<1x16xf32>
      tpu.vector_store %arg15[%swap3A_323, %swap3A_324], %swap3A_327 {strides = array<i32>} : memref<128x128xf32, #tpu.memory_space<vmem>>, vector<1x16xf32>,
      %get3A_328 = arith.index_cast %scan3A_192 : i32 to index
      %get3A_329 = arith.constant 64 : index
      %get3A_330 = tpu.vector_load %arg15[%get3A_328, %get3A_329] {strides = array<i32>} : memref<128x128xf32, #tpu.memory_space<vmem>>, vector<1x16xf32>,
      %get3A_331 = vector.shape_cast %get3A_330 : vector<1x16xf32> to vector<16xf32>
      %get3A_332 = arith.index_cast %scan3A_192 : i32 to index
      %get3A_333 = arith.constant 64 : index
      %get3A_334 = tpu.vector_load %arg16[%get3A_332, %get3A_333] {strides = array<i32>} : memref<128x128xf32, #tpu.memory_space<vmem>>, vector<1x16xf32>,
      %get3A_335 = vector.shape_cast %get3A_334 : vector<1x16xf32> to vector<16xf32>
      %get3A_336 = arith.index_cast %scan3A_192 : i32 to index
      %get3A_337 = arith.constant 64 : index
      %get3A_338 = tpu.vector_load %arg17[%get3A_336, %get3A_337] {strides = array<i32>} : memref<128x128xf32, #tpu.memory_space<vmem>>, vector<1x16xf32>,
      %get3A_339 = vector.shape_cast %get3A_338 : vector<1x16xf32> to vector<16xf32>
      %neg3A_340 = arith.constant 0.000000e+00 : f32
      %neg3A_341 = vector.broadcast %neg3A_340 : f32 to vector<16xf32>
      %neg3A_342 = arith.subf %neg3A_341, %get3A_331 : vector<16xf32>
      %exp3A_343 = math.exp %neg3A_342 : vector<16xf32>
      %neg3A_344 = arith.constant 0.000000e+00 : f32
      %neg3A_345 = vector.broadcast %neg3A_344 : f32 to vector<16xf32>
      %neg3A_346 = arith.subf %neg3A_345, %get3A_335 : vector<16xf32>
      %exp3A_347 = math.exp %neg3A_346 : vector<16xf32>
      %sub3A_348 = arith.subf %exp3A_347, %exp3A_343 : vector<16xf32>
      %add3A_349 = arith.constant 1.000000e+00 : f32
      %add3A_350 = vector.broadcast %add3A_349 : f32 to vector<16xf32>
      %add3A_351 = arith.addf %add3A_350, %exp3A_343 : vector<16xf32>
      %add3A_352 = arith.constant 1.000000e+00 : f32
      %add3A_353 = vector.broadcast %add3A_352 : f32 to vector<16xf32>
      %add3A_354 = arith.addf %add3A_353, %exp3A_347 : vector<16xf32>
      %mul3A_355 = arith.mulf %add3A_351, %add3A_354 : vector<16xf32>
      %div3A_356 = arith.divf %sub3A_348, %mul3A_355 : vector<16xf32>
      %mul3A_357 = arith.mulf %get3A_339, %div3A_356 : vector<16xf32>
      %swap3A_358 = arith.index_cast %scan3A_192 : i32 to index
      %swap3A_359 = arith.constant 64 : index
      %swap3A_360 = tpu.vector_load %arg15[%swap3A_358, %swap3A_359] {strides = array<i32>} : memref<128x128xf32, #tpu.memory_space<vmem>>, vector<1x16xf32>,
      %swap3A_361 = vector.shape_cast %swap3A_360 : vector<1x16xf32> to vector<16xf32>
      %swap3A_362 = vector.shape_cast %mul3A_357 : vector<16xf32> to vector<1x16xf32>
      tpu.vector_store %arg15[%swap3A_358, %swap3A_359], %swap3A_362 {strides = array<i32>} : memref<128x128xf32, #tpu.memory_space<vmem>>, vector<1x16xf32>,
      %get3A_363 = arith.index_cast %scan3A_192 : i32 to index
      %get3A_364 = arith.constant 80 : index
      %get3A_365 = tpu.vector_load %arg15[%get3A_363, %get3A_364] {strides = array<i32>} : memref<128x128xf32, #tpu.memory_space<vmem>>, vector<1x16xf32>,
      %get3A_366 = vector.shape_cast %get3A_365 : vector<1x16xf32> to vector<16xf32>
      %get3A_367 = arith.index_cast %scan3A_192 : i32 to index
      %get3A_368 = arith.constant 80 : index
      %get3A_369 = tpu.vector_load %arg16[%get3A_367, %get3A_368] {strides = array<i32>} : memref<128x128xf32, #tpu.memory_space<vmem>>, vector<1x16xf32>,
      %get3A_370 = vector.shape_cast %get3A_369 : vector<1x16xf32> to vector<16xf32>
      %get3A_371 = arith.index_cast %scan3A_192 : i32 to index
      %get3A_372 = arith.constant 80 : index
      %get3A_373 = tpu.vector_load %arg17[%get3A_371, %get3A_372] {strides = array<i32>} : memref<128x128xf32, #tpu.memory_space<vmem>>, vector<1x16xf32>,
      %get3A_374 = vector.shape_cast %get3A_373 : vector<1x16xf32> to vector<16xf32>
      %neg3A_375 = arith.constant 0.000000e+00 : f32
      %neg3A_376 = vector.broadcast %neg3A_375 : f32 to vector<16xf32>
      %neg3A_377 = arith.subf %neg3A_376, %get3A_366 : vector<16xf32>
      %exp3A_378 = math.exp %neg3A_377 : vector<16xf32>
      %neg3A_379 = arith.constant 0.000000e+00 : f32
      %neg3A_380 = vector.broadcast %neg3A_379 : f32 to vector<16xf32>
      %neg3A_381 = arith.subf %neg3A_380, %get3A_370 : vector<16xf32>
      %exp3A_382 = math.exp %neg3A_381 : vector<16xf32>
      %sub3A_383 = arith.subf %exp3A_382, %exp3A_378 : vector<16xf32>
      %add3A_384 = arith.constant 1.000000e+00 : f32
      %add3A_385 = vector.broadcast %add3A_384 : f32 to vector<16xf32>
      %add3A_386 = arith.addf %add3A_385, %exp3A_378 : vector<16xf32>
      %add3A_387 = arith.constant 1.000000e+00 : f32
      %add3A_388 = vector.broadcast %add3A_387 : f32 to vector<16xf32>
      %add3A_389 = arith.addf %add3A_388, %exp3A_382 : vector<16xf32>
      %mul3A_390 = arith.mulf %add3A_386, %add3A_389 : vector<16xf32>
      %div3A_391 = arith.divf %sub3A_383, %mul3A_390 : vector<16xf32>
      %mul3A_392 = arith.mulf %get3A_374, %div3A_391 : vector<16xf32>
      %swap3A_393 = arith.index_cast %scan3A_192 : i32 to index
      %swap3A_394 = arith.constant 80 : index
      %swap3A_395 = tpu.vector_load %arg15[%swap3A_393, %swap3A_394] {strides = array<i32>} : memref<128x128xf32, #tpu.memory_space<vmem>>, vector<1x16xf32>,
      %swap3A_396 = vector.shape_cast %swap3A_395 : vector<1x16xf32> to vector<16xf32>
      %swap3A_397 = vector.shape_cast %mul3A_392 : vector<16xf32> to vector<1x16xf32>
      tpu.vector_store %arg15[%swap3A_393, %swap3A_394], %swap3A_397 {strides = array<i32>} : memref<128x128xf32, #tpu.memory_space<vmem>>, vector<1x16xf32>,
      %get3A_398 = arith.index_cast %scan3A_192 : i32 to index
      %get3A_399 = arith.constant 96 : index
      %get3A_400 = tpu.vector_load %arg15[%get3A_398, %get3A_399] {strides = array<i32>} : memref<128x128xf32, #tpu.memory_space<vmem>>, vector<1x16xf32>,
      %get3A_401 = vector.shape_cast %get3A_400 : vector<1x16xf32> to vector<16xf32>
      %get3A_402 = arith.index_cast %scan3A_192 : i32 to index
      %get3A_403 = arith.constant 96 : index
      %get3A_404 = tpu.vector_load %arg16[%get3A_402, %get3A_403] {strides = array<i32>} : memref<128x128xf32, #tpu.memory_space<vmem>>, vector<1x16xf32>,
      %get3A_405 = vector.shape_cast %get3A_404 : vector<1x16xf32> to vector<16xf32>
      %get3A_406 = arith.index_cast %scan3A_192 : i32 to index
      %get3A_407 = arith.constant 96 : index
      %get3A_408 = tpu.vector_load %arg17[%get3A_406, %get3A_407] {strides = array<i32>} : memref<128x128xf32, #tpu.memory_space<vmem>>, vector<1x16xf32>,
      %get3A_409 = vector.shape_cast %get3A_408 : vector<1x16xf32> to vector<16xf32>
      %neg3A_410 = arith.constant 0.000000e+00 : f32
      %neg3A_411 = vector.broadcast %neg3A_410 : f32 to vector<16xf32>
      %neg3A_412 = arith.subf %neg3A_411, %get3A_401 : vector<16xf32>
      %exp3A_413 = math.exp %neg3A_412 : vector<16xf32>
      %neg3A_414 = arith.constant 0.000000e+00 : f32
      %neg3A_415 = vector.broadcast %neg3A_414 : f32 to vector<16xf32>
      %neg3A_416 = arith.subf %neg3A_415, %get3A_405 : vector<16xf32>
      %exp3A_417 = math.exp %neg3A_416 : vector<16xf32>
      %sub3A_418 = arith.subf %exp3A_417, %exp3A_413 : vector<16xf32>
      %add3A_419 = arith.constant 1.000000e+00 : f32
      %add3A_420 = vector.broadcast %add3A_419 : f32 to vector<16xf32>
      %add3A_421 = arith.addf %add3A_420, %exp3A_413 : vector<16xf32>
      %add3A_422 = arith.constant 1.000000e+00 : f32
      %add3A_423 = vector.broadcast %add3A_422 : f32 to vector<16xf32>
      %add3A_424 = arith.addf %add3A_423, %exp3A_417 : vector<16xf32>
      %mul3A_425 = arith.mulf %add3A_421, %add3A_424 : vector<16xf32>
      %div3A_426 = arith.divf %sub3A_418, %mul3A_425 : vector<16xf32>
      %mul3A_427 = arith.mulf %get3A_409, %div3A_426 : vector<16xf32>
      %swap3A_428 = arith.index_cast %scan3A_192 : i32 to index
      %swap3A_429 = arith.constant 96 : index
      %swap3A_430 = tpu.vector_load %arg15[%swap3A_428, %swap3A_429] {strides = array<i32>} : memref<128x128xf32, #tpu.memory_space<vmem>>, vector<1x16xf32>,
      %swap3A_431 = vector.shape_cast %swap3A_430 : vector<1x16xf32> to vector<16xf32>
      %swap3A_432 = vector.shape_cast %mul3A_427 : vector<16xf32> to vector<1x16xf32>
      tpu.vector_store %arg15[%swap3A_428, %swap3A_429], %swap3A_432 {strides = array<i32>} : memref<128x128xf32, #tpu.memory_space<vmem>>, vector<1x16xf32>,
      %get3A_433 = arith.index_cast %scan3A_192 : i32 to index
      %get3A_434 = arith.constant 112 : index
      %get3A_435 = tpu.vector_load %arg15[%get3A_433, %get3A_434] {strides = array<i32>} : memref<128x128xf32, #tpu.memory_space<vmem>>, vector<1x16xf32>,
      %get3A_436 = vector.shape_cast %get3A_435 : vector<1x16xf32> to vector<16xf32>
      %get3A_437 = arith.index_cast %scan3A_192 : i32 to index
      %get3A_438 = arith.constant 112 : index
      %get3A_439 = tpu.vector_load %arg16[%get3A_437, %get3A_438] {strides = array<i32>} : memref<128x128xf32, #tpu.memory_space<vmem>>, vector<1x16xf32>,
      %get3A_440 = vector.shape_cast %get3A_439 : vector<1x16xf32> to vector<16xf32>
      %get3A_441 = arith.index_cast %scan3A_192 : i32 to index
      %get3A_442 = arith.constant 112 : index
      %get3A_443 = tpu.vector_load %arg17[%get3A_441, %get3A_442] {strides = array<i32>} : memref<128x128xf32, #tpu.memory_space<vmem>>, vector<1x16xf32>,
      %get3A_444 = vector.shape_cast %get3A_443 : vector<1x16xf32> to vector<16xf32>
      %neg3A_445 = arith.constant 0.000000e+00 : f32
      %neg3A_446 = vector.broadcast %neg3A_445 : f32 to vector<16xf32>
      %neg3A_447 = arith.subf %neg3A_446, %get3A_436 : vector<16xf32>
      %exp3A_448 = math.exp %neg3A_447 : vector<16xf32>
      %neg3A_449 = arith.constant 0.000000e+00 : f32
      %neg3A_450 = vector.broadcast %neg3A_449 : f32 to vector<16xf32>
      %neg3A_451 = arith.subf %neg3A_450, %get3A_440 : vector<16xf32>
      %exp3A_452 = math.exp %neg3A_451 : vector<16xf32>
      %sub3A_453 = arith.subf %exp3A_452, %exp3A_448 : vector<16xf32>
      %add3A_454 = arith.constant 1.000000e+00 : f32
      %add3A_455 = vector.broadcast %add3A_454 : f32 to vector<16xf32>
      %add3A_456 = arith.addf %add3A_455, %exp3A_448 : vector<16xf32>
      %add3A_457 = arith.constant 1.000000e+00 : f32
      %add3A_458 = vector.broadcast %add3A_457 : f32 to vector<16xf32>
      %add3A_459 = arith.addf %add3A_458, %exp3A_452 : vector<16xf32>
      %mul3A_460 = arith.mulf %add3A_456, %add3A_459 : vector<16xf32>
      %div3A_461 = arith.divf %sub3A_453, %mul3A_460 : vector<16xf32>
      %mul3A_462 = arith.mulf %get3A_444, %div3A_461 : vector<16xf32>
      %swap3A_463 = arith.index_cast %scan3A_192 : i32 to index
      %swap3A_464 = arith.constant 112 : index
      %swap3A_465 = tpu.vector_load %arg15[%swap3A_463, %swap3A_464] {strides = array<i32>} : memref<128x128xf32, #tpu.memory_space<vmem>>, vector<1x16xf32>,
      %swap3A_466 = vector.shape_cast %swap3A_465 : vector<1x16xf32> to vector<16xf32>
      %swap3A_467 = vector.shape_cast %mul3A_462 : vector<16xf32> to vector<1x16xf32>
      tpu.vector_store %arg15[%swap3A_463, %swap3A_464], %swap3A_467 {strides = array<i32>} : memref<128x128xf32, #tpu.memory_space<vmem>>, vector<1x16xf32>,
      %scan3A_468 = arith.constant 0 : i32
      scf.yield %scan3A_468 : i32
    }
    %scan3A_175 = arith.constant 128 : i32
    %add3A_176 = arith.constant 384 : i32
    %add3A_177 = arith.addi %mul3A_2, %add3A_176 : i32
    %dma_start3A_178 = arith.constant 0 : i32
    %dma_start3A_179 = tpu.memref_slice %arg8[%add3A_177, %dma_start3A_178] : memref<16384x128xf32, #tpu.memory_space<hbm>> -> memref<128x128xf32, #tpu.memory_space<hbm>>
    %dma_start3A_180 = arith.constant 0 : i32
    %dma_start3A_181 = tpu.memref_slice %arg8[%add3A_177, %dma_start3A_180] : memref<16384x128xf32, #tpu.memory_space<hbm>> -> memref<128x128xf32, #tpu.memory_space<hbm>>
    tpu.enqueue_dma source(%arg15 : memref<128x128xf32, #tpu.memory_space<vmem>>) target(%dma_start3A_181 : memref<128x128xf32, #tpu.memory_space<hbm>>) target_semaphore(%arg21 : memref<!tpu.dma_semaphore, #tpu.memory_space<semaphore_mem>>)
    %dma_wait3A_182 = arith.constant 0 : i32
    %dma_wait3A_183 = tpu.memref_slice %arg8[%add3A_149, %dma_wait3A_182] : memref<16384x128xf32, #tpu.memory_space<hbm>> -> memref<128x128xf32, #tpu.memory_space<hbm>>
    %dma_wait3A_184 = arith.constant 0 : i32
    %dma_wait3A_185 = tpu.memref_slice %arg8[%add3A_149, %dma_wait3A_184] : memref<16384x128xf32, #tpu.memory_space<hbm>> -> memref<128x128xf32, #tpu.memory_space<hbm>>
    tpu.wait_dma2 semaphore(%arg21 : memref<!tpu.dma_semaphore, #tpu.memory_space<semaphore_mem>>) src(%arg12 : memref<128x128xf32, #tpu.memory_space<vmem>>) dst(%dma_wait3A_185 : memref<128x128xf32, #tpu.memory_space<hbm>>)
    %dma_wait3A_186 = arith.constant 0 : i32
    %dma_wait3A_187 = tpu.memref_slice %arg8[%add3A_177, %dma_wait3A_186] : memref<16384x128xf32, #tpu.memory_space<hbm>> -> memref<128x128xf32, #tpu.memory_space<hbm>>
    %dma_wait3A_188 = arith.constant 0 : i32
    %dma_wait3A_189 = tpu.memref_slice %arg8[%add3A_177, %dma_wait3A_188] : memref<16384x128xf32, #tpu.memory_space<hbm>> -> memref<128x128xf32, #tpu.memory_space<hbm>>
    tpu.wait_dma2 semaphore(%arg21 : memref<!tpu.dma_semaphore, #tpu.memory_space<semaphore_mem>>) src(%arg15 : memref<128x128xf32, #tpu.memory_space<vmem>>) dst(%dma_wait3A_189 : memref<128x128xf32, #tpu.memory_space<hbm>>)
    %dma_wait3A_190 = arith.constant 0 : i32
    %dma_wait3A_191 = tpu.memref_slice %arg7[%dma_wait3A_190] : memref<100000xf32, #tpu.memory_space<hbm>> -> memref<100000xf32, #tpu.memory_space<hbm>>
    tpu.wait_indirect_dma semaphore(%arg22 : memref<!tpu.dma_semaphore, #tpu.memory_space<semaphore_mem>>) src(%dma_wait3A_191 : memref<100000xf32, #tpu.memory_space<hbm>>) dst(%arg18 : memref<512xf32, #tpu.memory_space<vmem>>)
    "tpu.region"() ({
      %run_scoped3A = tpu.sem_alloc : memref<!tpu.dma_semaphore, #tpu.memory_space<semaphore_mem>>
      %dma_start3A_192 = tpu.memref_slice %arg9[%mul3A_2] : memref<16384xf32, #tpu.memory_space<hbm>> -> memref<512xf32, #tpu.memory_space<hbm>>
      %dma_start3A_193 = tpu.memref_slice %arg9[%mul3A_2] : memref<16384xf32, #tpu.memory_space<hbm>> -> memref<512xf32, #tpu.memory_space<hbm>>
      tpu.enqueue_dma source(%arg18 : memref<512xf32, #tpu.memory_space<vmem>>) target(%dma_start3A_193 : memref<512xf32, #tpu.memory_space<hbm>>) target_semaphore(%run_scoped3A : memref<!tpu.dma_semaphore, #tpu.memory_space<semaphore_mem>>)
      %dma_wait3A_194 = tpu.memref_slice %arg9[%mul3A_2] : memref<16384xf32, #tpu.memory_space<hbm>> -> memref<512xf32, #tpu.memory_space<hbm>>
      %dma_wait3A_195 = tpu.memref_slice %arg9[%mul3A_2] : memref<16384xf32, #tpu.memory_space<hbm>> -> memref<512xf32, #tpu.memory_space<hbm>>
      tpu.wait_dma2 semaphore(%run_scoped3A : memref<!tpu.dma_semaphore, #tpu.memory_space<semaphore_mem>>) src(%arg18 : memref<512xf32, #tpu.memory_space<vmem>>) dst(%dma_wait3A_195 : memref<512xf32, #tpu.memory_space<hbm>>)
      tpu.yield
    }) : () -> ()
    return
  }
}

module attributes {stable_mosaic.version = 14 : i64} {
  func.func @_mlp_body(%arg0: i32, %arg1: memref<4096x128xf32, #tpu.memory_space<vmem>>, %arg2: memref<1x4096xf32, #tpu.memory_space<vmem>>, %arg3: memref<128x512xbf16, #tpu.memory_space<vmem>>, %arg4: memref<1x512xf32, #tpu.memory_space<vmem>>, %arg5: memref<512x256xbf16, #tpu.memory_space<vmem>>, %arg6: memref<1x256xf32, #tpu.memory_space<vmem>>, %arg7: memref<1x256xf32, #tpu.memory_space<vmem>>, %arg8: memref<1x1xf32, #tpu.memory_space<vmem>>, %arg9: memref<1x4096xf32, #tpu.memory_space<vmem>>) attributes {dimension_semantics = [#tpu.dimension_semantics<arbitrary>], iteration_bounds = array<i64: 4>, scalar_prefetch = 0 : i64, scratch_operands = 0 : i64, tpu.core_type = #tpu.core_type<tc>, window_params = [{transform_indices = @transform_0, window_bounds = array<i64: 4096, 128>}, {transform_indices = @transform_1, window_bounds = array<i64: 1, 4096>}, {pipeline_mode = #tpu.pipeline_mode<synchronous>, transform_indices = @transform_2, window_bounds = array<i64: 128, 512>}, {pipeline_mode = #tpu.pipeline_mode<synchronous>, transform_indices = @transform_3, window_bounds = array<i64: 1, 512>}, {pipeline_mode = #tpu.pipeline_mode<synchronous>, transform_indices = @transform_4, window_bounds = array<i64: 512, 256>}, {pipeline_mode = #tpu.pipeline_mode<synchronous>, transform_indices = @transform_5, window_bounds = array<i64: 1, 256>}, {pipeline_mode = #tpu.pipeline_mode<synchronous>, transform_indices = @transform_6, window_bounds = array<i64: 1, 256>}, {pipeline_mode = #tpu.pipeline_mode<synchronous>, transform_indices = @transform_7, window_bounds = array<i64: 1, 1>}, {transform_indices = @transform_8, window_bounds = array<i64: 1, 4096>}]} {
    %get3A = arith.constant 0 : index
    %get3A_0 = arith.constant 0 : index
    %get3A_1 = vector.load %arg2[%get3A, %get3A_0] : memref<1x4096xf32, #tpu.memory_space<vmem>>, vector<1x4096xf32>
    %transpose3A = tpu.transpose %get3A_1, [1, 0] : vector<1x4096xf32> -> vector<4096x1xf32>
    %mul3A = arith.constant 5.000000e-01 : f32
    %mul3A_2 = vector.broadcast %mul3A : f32 to vector<4096x1xf32>
    %mul3A_3 = arith.mulf %transpose3A, %mul3A_2 : vector<4096x1xf32>
    %tanh3A = math.tanh %mul3A_3 : vector<4096x1xf32>
    %add3A = arith.constant 1.000000e+00 : f32
    %add3A_4 = vector.broadcast %add3A : f32 to vector<4096x1xf32>
    %add3A_5 = arith.addf %tanh3A, %add3A_4 : vector<4096x1xf32>
    %get3A_6 = arith.constant 0 : index
    %get3A_7 = arith.constant 0 : index
    %get3A_8 = vector.load %arg1[%get3A_6, %get3A_7] : memref<4096x128xf32, #tpu.memory_space<vmem>>, vector<4096x128xf32>
    %mul3A_9 = vector.broadcast %add3A_5 : vector<4096x1xf32> to vector<4096x128xf32>
    %mul3A_10 = arith.mulf %get3A_8, %mul3A_9 : vector<4096x128xf32>
    %convert_element_type3A = arith.truncf %mul3A_10 : vector<4096x128xf32> to vector<4096x128xbf16>
    %get3A_11 = arith.constant 0 : index
    %get3A_12 = arith.constant 0 : index
    %get3A_13 = vector.load %arg3[%get3A_11, %get3A_12] : memref<128x512xbf16, #tpu.memory_space<vmem>>, vector<128x512xbf16>
    %dot_general3A = arith.constant dense<0.000000e+00> : vector<4096x512xf32>
    %dot_general3A_14 = tpu.matmul %convert_element_type3A, %get3A_13, %dot_general3A {dimension_numbers = #tpu.dot_dimension_numbers<[1], [0], [0], [1], [0, 0, 1, 1], [], []>, transpose_lhs_hint = false} : vector<4096x128xbf16>, vector<128x512xbf16>, vector<4096x512xf32> -> vector<4096x512xf32>
    %get3A_15 = arith.constant 0 : index
    %get3A_16 = arith.constant 0 : index
    %get3A_17 = vector.load %arg4[%get3A_15, %get3A_16] : memref<1x512xf32, #tpu.memory_space<vmem>>, vector<1x512xf32>
    %add3A_18 = vector.broadcast %get3A_17 : vector<1x512xf32> to vector<4096x512xf32>
    %add3A_19 = arith.addf %dot_general3A_14, %add3A_18 : vector<4096x512xf32>
    %tanh3A_20 = math.tanh %add3A_19 : vector<4096x512xf32>
    %convert_element_type3A_21 = arith.truncf %tanh3A_20 : vector<4096x512xf32> to vector<4096x512xbf16>
    %get3A_22 = arith.constant 0 : index
    %get3A_23 = arith.constant 0 : index
    %get3A_24 = vector.load %arg5[%get3A_22, %get3A_23] : memref<512x256xbf16, #tpu.memory_space<vmem>>, vector<512x256xbf16>
    %dot_general3A_25 = arith.constant dense<0.000000e+00> : vector<4096x256xf32>
    %dot_general3A_26 = tpu.matmul %convert_element_type3A_21, %get3A_24, %dot_general3A_25 {dimension_numbers = #tpu.dot_dimension_numbers<[1], [0], [0], [1], [0, 0, 1, 1], [], []>, transpose_lhs_hint = false} : vector<4096x512xbf16>, vector<512x256xbf16>, vector<4096x256xf32> -> vector<4096x256xf32>
    %get3A_27 = arith.constant 0 : index
    %get3A_28 = arith.constant 0 : index
    %get3A_29 = vector.load %arg6[%get3A_27, %get3A_28] : memref<1x256xf32, #tpu.memory_space<vmem>>, vector<1x256xf32>
    %add3A_30 = vector.broadcast %get3A_29 : vector<1x256xf32> to vector<4096x256xf32>
    %add3A_31 = arith.addf %dot_general3A_26, %add3A_30 : vector<4096x256xf32>
    %tanh3A_32 = math.tanh %add3A_31 : vector<4096x256xf32>
    %get3A_33 = arith.constant 0 : index
    %get3A_34 = arith.constant 0 : index
    %get3A_35 = vector.load %arg7[%get3A_33, %get3A_34] : memref<1x256xf32, #tpu.memory_space<vmem>>, vector<1x256xf32>
    %mul3A_36 = vector.broadcast %get3A_35 : vector<1x256xf32> to vector<4096x256xf32>
    %mul3A_37 = arith.mulf %tanh3A_32, %mul3A_36 : vector<4096x256xf32>
    %reduce_sum3A = arith.constant dense<0.000000e+00> : vector<4096xf32>
    %reduce_sum3A_38 = vector.multi_reduction <add>, %mul3A_37, %reduce_sum3A [1] : vector<4096x256xf32> to vector<4096xf32>
    %broadcast_in_dim3A = vector.shape_cast %reduce_sum3A_38 : vector<4096xf32> to vector<4096x1xf32>
    %get3A_39 = arith.constant 0 : index
    %get3A_40 = arith.constant 0 : index
    %get3A_41 = vector.load %arg8[%get3A_39, %get3A_40] : memref<1x1xf32, #tpu.memory_space<vmem>>, vector<1x1xf32>
    %add3A_42 = vector.broadcast %get3A_41 : vector<1x1xf32> to vector<4096x1xf32>
    %add3A_43 = arith.addf %broadcast_in_dim3A, %add3A_42 : vector<4096x1xf32>
    %tanh3A_44 = math.tanh %add3A_43 : vector<4096x1xf32>
    %mul3A_45 = arith.constant 5.000000e-01 : f32
    %mul3A_46 = vector.broadcast %mul3A_45 : f32 to vector<4096x1xf32>
    %mul3A_47 = arith.mulf %mul3A_46, %tanh3A_44 : vector<4096x1xf32>
    %add3A_48 = arith.constant 5.000000e-01 : f32
    %add3A_49 = vector.broadcast %add3A_48 : f32 to vector<4096x1xf32>
    %add3A_50 = arith.addf %mul3A_47, %add3A_49 : vector<4096x1xf32>
    %transpose3A_51 = tpu.transpose %add3A_50, [1, 0] : vector<4096x1xf32> -> vector<1x4096xf32>
    %swap3A = arith.constant 0 : index
    %swap3A_52 = arith.constant 0 : index
    %swap3A_53 = vector.load %arg9[%swap3A, %swap3A_52] : memref<1x4096xf32, #tpu.memory_space<vmem>>, vector<1x4096xf32>
    tpu.vector_store %arg9[%swap3A, %swap3A_52], %transpose3A_51 {strides = array<i32>} : memref<1x4096xf32, #tpu.memory_space<vmem>>, vector<1x4096xf32>,
    return
  }
  func.func @transform_0(%arg0: i32) -> (i32, i32) {
    %c0_i32 = arith.constant 0 : i32
    %c0_i32_0 = arith.constant 0 : i32
    return %arg0, %c0_i32 : i32, i32
  }
  func.func @transform_1(%arg0: i32) -> (i32, i32) {
    %c0_i32 = arith.constant 0 : i32
    %c0_i32_0 = arith.constant 0 : i32
    return %c0_i32, %arg0 : i32, i32
  }
  func.func @transform_2(%arg0: i32) -> (i32, i32) {
    %c0_i32 = arith.constant 0 : i32
    %c0_i32_0 = arith.constant 0 : i32
    %c0_i32_1 = arith.constant 0 : i32
    return %c0_i32, %c0_i32_0 : i32, i32
  }
  func.func @transform_3(%arg0: i32) -> (i32, i32) {
    %c0_i32 = arith.constant 0 : i32
    %c0_i32_0 = arith.constant 0 : i32
    %c0_i32_1 = arith.constant 0 : i32
    return %c0_i32, %c0_i32_0 : i32, i32
  }
  func.func @transform_4(%arg0: i32) -> (i32, i32) {
    %c0_i32 = arith.constant 0 : i32
    %c0_i32_0 = arith.constant 0 : i32
    %c0_i32_1 = arith.constant 0 : i32
    return %c0_i32, %c0_i32_0 : i32, i32
  }
  func.func @transform_5(%arg0: i32) -> (i32, i32) {
    %c0_i32 = arith.constant 0 : i32
    %c0_i32_0 = arith.constant 0 : i32
    %c0_i32_1 = arith.constant 0 : i32
    return %c0_i32, %c0_i32_0 : i32, i32
  }
  func.func @transform_6(%arg0: i32) -> (i32, i32) {
    %c0_i32 = arith.constant 0 : i32
    %c0_i32_0 = arith.constant 0 : i32
    %c0_i32_1 = arith.constant 0 : i32
    return %c0_i32, %c0_i32_0 : i32, i32
  }
  func.func @transform_7(%arg0: i32) -> (i32, i32) {
    %c0_i32 = arith.constant 0 : i32
    %c0_i32_0 = arith.constant 0 : i32
    %c0_i32_1 = arith.constant 0 : i32
    return %c0_i32, %c0_i32_0 : i32, i32
  }
  func.func @transform_8(%arg0: i32) -> (i32, i32) {
    %c0_i32 = arith.constant 0 : i32
    %c0_i32_0 = arith.constant 0 : i32
    return %c0_i32, %arg0 : i32, i32
  }
}

</mosaic_0001>

<sc_bundles>
// kernel: _ncd_forward.4.cloned.1.call-start
scs
__scs_entry_jumppad:
0x0: {  	(pc) =	sbr.rel $0x88, $3  }
0x1: {  	(tag) =	ssettag $0x0;
	lr =	simm.s32 $0x1  }
0x2: {  	[smem:$0x3F95] =	sst lr;
	_ =	strace $0xD0000000  }
0x3: {  	_ = 	snop  }
0x4: {  	_ = 	snop  }
0x5: {  	_ = 	snop  }
0x6: {  	_ = 	snop  }
0x7: {  	_ = 	snop  }
__scs_overlays_trampoline_lowered:
0x8: {  	[smem:$0x3FA4] =	sst s0  }
0x9: {  	[smem:$0x3FA5] =	sst s1  }
0xa: {  	[smem:$0x3FA6] =	sst s2  }
0xb: {  	[smem:$0x3FA7] =	sst s3  }
0xc: {  	[smem:$0x3FA8] =	sst s4  }
0xd: {  	[smem:$0x3FA9] =	sst s5  }
0xe: {  	[smem:$0x3FAA] =	sst s6  }
0xf: {  	[smem:$0x3FAB] =	sst s7  }
0x10: {  	[smem:$0x3FAC] =	sst s8  }
0x11: {  	[smem:$0x3FAD] =	sst s9;
	s0 =	simm.s32 @!p0 $0x0  }
0x12: {  	s1 =	sld [smem:$0x3F93];
	s0 =	simm.s32 @p0 $0x1  }
0x13: {  	[smem:$0x3FAE] =	sst s0;
	s0 =	simm.s32 @!p1 $0x0  }
0x14: {  	s2 =	sld [smem:$0x3F92];
	s0 =	simm.s32 @p1 $0x1  }
0x15: {  	[smem:$0x3FAF] =	sst s0;
	s0 =	simm.s32 @!p2 $0x0  }
0x16: {  	s3 =	sld [smem:$0x3FDB];
	s0 =	simm.s32 @p2 $0x1  }
0x17: {  	s4 =	simm.s32 $0x1BF5;
	[smem:$0x3FB1] =	sst s0  }
0x18: {  	s0 =	sld [smem:$0x3F94];
	_ =	swait.ge [sflag:s4], $0x0  }
0x19: {  	s7 =	sld [smem:$0x3F95]  }
0x1a: {  	s8 =	sadd.s32 $0xFFFFE003, lr  }
0x1b: {  	s9 =	sadd.s32 $0xFFFFFEF7, lr;
	s5 =	simm.s32 $0xFFFFFFFF;
	p2 =	slt.u32 s8, $0xFFFFF086  }
0x1c: {  	p1 =	slt.u32 s9, $0xF7A;
	s5 =	simm.s32 @!p2 $0x0  }
0x1d: {  	s5 =	simm.s32 @p1 $0x1;
	p0 =	seq.s32 s7, s2  }
0x1e: {  	s7 =	smul.u32 @!p0 $0xF7A, s2;
	p2 =	seq.s32 @!p0 s5, $0x0  }
0x1f: {  	s9 =	smul.u32 $0xF7A, s1;
	s8 =	simm.s32 @!p0 $0x1BF5;
	p2 =	por !p2, p0  }
0x20: {  	[sflag:s8] =	ssyncset.s32 @!p0 $0xFFFFF086;
	s6 =	sadd.s32 @!p0 s3, s7;
	s7 =	simm.s32 @!p0 $0x108  }
0x21: {  	s3 =	sadd.s32 s3, s9;
	s6 =	sadd.s32 @!p0 $0x88, s6;
	s7 =	simm.s32 @p2 $0x1082  }
0x22: {  	[simem:s7], [sflag:s8] =	dma.local @!p0 [hbm:s6], $0xF7A  }
0x23: {  	s9 =	sor.u32 $0xD0000000, s2;
	s6 =	simm.s32 $0x108;
	_ =	swait.ge @!p0 [sflag:s8], $0x0  }
0x24: {  	s3 =	sadd.s32 $0x88, s3;
	s6 =	simm.s32 @!p1 $0x1082;
	[sflag:s4] =	ssyncset.s32 $0xFFFFF086  }
0x25: {  	[simem:s6], [sflag:s4] =	dma.local [hbm:s3], $0xF7A  }
0x26: {  	[smem:$0x3F95] =	sst s1;
	(tag) =	ssettag s2;
	_ =	strace s9  }
0x27: {  	s1 =	sld [smem:$0x3FA5]  }
0x28: {  	s2 =	sld [smem:$0x3FA6]  }
0x29: {  	s4 =	sld [smem:$0x3FA8]  }
0x2a: {  	p0 =	seq.s32 s5, $0x0;
	s5 =	sld [smem:$0x3FA9]  }
0x2b: {  	s6 =	sld [smem:$0x3FAA]  }
0x2c: {  	s7 =	sld [smem:$0x3FAB]  }
0x2d: {  	s3 =	simm.s32 $0x108;
	s8 =	sld [smem:$0x3FAC]  }
0x2e: {  	s3 =	simm.s32 @!p0 $0x1082;
	s9 =	sld [smem:$0x3FAD]  }
0x2f: {  	lr =	sadd.s32 s0, s3;
	s0 =	sld [smem:$0x3FA4]  }
0x30: {  	s3 =	sld [smem:$0x3FA7]  }
0x31: {  	[smem:$0x3FB0] =	sst s10  }
0x32: {  	s10 =	sld [smem:$0x3FAE];
	_ =	sdelay $0x3  }
0x33: {  	p0 =	seq.s32 s10, $0x1;
	s10 =	sld [smem:$0x3FB0];
	_ =	sdelay $0x3  }
0x34: {  	[smem:$0x3FB0] =	sst s10  }
0x35: {  	s10 =	sld [smem:$0x3FAF];
	_ =	sdelay $0x3  }
0x36: {  	p1 =	seq.s32 s10, $0x1;
	s10 =	sld [smem:$0x3FB0];
	_ =	sdelay $0x3  }
0x37: {  	[smem:$0x3FB0] =	sst s10  }
0x38: {  	s10 =	sld [smem:$0x3FB1]  }
0x39: {  	_ = 	snop;
	(pc) =	sbr.ind lr, $3  }
0x3a: {  	_ = 	snop  }
0x3b: {  	_ = 	snop  }
0x3c: {  	p2 =	seq.s32 s10, $0x1;
	s10 =	sld [smem:$0x3FB0]  }
0x3d: {  	_ =	shalt  }
0x3e: {  	_ =	shalt  }
0x3f: {  	_ =	shalt  }
0x40: {  	_ =	shalt  }
0x41: {  	_ =	shalt  }
0x42: {  	_ =	shalt  }
0x43: {  	_ =	shalt  }
0x44: {  	_ =	shalt  }
0x45: {  	_ =	shalt  }
0x46: {  	_ =	shalt  }
0x47: {  	_ =	shalt  }
0x48: {  	_ =	shalt  }
0x49: {  	_ =	shalt  }
0x4a: {  	_ =	shalt  }
0x4b: {  	_ =	shalt  }
0x4c: {  	_ =	shalt  }
0x4d: {  	_ =	shalt  }
0x4e: {  	_ =	shalt  }
0x4f: {  	_ =	shalt  }
0x50: {  	_ =	shalt  }
0x51: {  	_ =	shalt  }
0x52: {  	_ =	shalt  }
0x53: {  	_ =	shalt  }
0x54: {  	_ =	shalt  }
0x55: {  	_ =	shalt  }
0x56: {  	_ =	shalt  }
0x57: {  	_ =	shalt  }
0x58: {  	_ =	shalt  }
0x59: {  	_ =	shalt  }
0x5a: {  	_ =	shalt  }
0x5b: {  	_ =	shalt  }
0x5c: {  	_ =	shalt  }
0x5d: {  	_ =	shalt  }
0x5e: {  	_ =	shalt  }
0x5f: {  	_ =	shalt  }
0x60: {  	_ =	shalt  }
0x61: {  	_ =	shalt  }
0x62: {  	_ =	shalt  }
0x63: {  	_ =	shalt  }
0x64: {  	_ =	shalt  }
0x65: {  	_ =	shalt  }
0x66: {  	_ =	shalt  }
0x67: {  	_ =	shalt  }
0x68: {  	_ =	shalt  }
0x69: {  	_ =	shalt  }
0x6a: {  	_ =	shalt  }
0x6b: {  	_ =	shalt  }
0x6c: {  	_ =	shalt  }
0x6d: {  	_ =	shalt  }
0x6e: {  	_ =	shalt  }
0x6f: {  	_ =	shalt  }
0x70: {  	_ =	shalt  }
0x71: {  	_ =	shalt  }
0x72: {  	_ =	shalt  }
0x73: {  	_ =	shalt  }
0x74: {  	_ =	shalt  }
0x75: {  	_ =	shalt  }
0x76: {  	_ =	shalt  }
0x77: {  	_ =	shalt  }
0x78: {  	_ =	shalt  }
0x79: {  	_ =	shalt  }
0x7a: {  	_ =	shalt  }
0x7b: {  	_ =	shalt  }
0x7c: {  	_ =	shalt  }
0x7d: {  	_ =	shalt  }
0x7e: {  	_ =	shalt  }
0x7f: {  	_ =	shalt  }
0x80: {  	_ =	shalt  }
0x81: {  	_ =	shalt  }
0x82: {  	_ =	shalt  }
0x83: {  	_ =	shalt  }
0x84: {  	_ =	shalt  }
0x85: {  	_ =	shalt  }
0x86: {  	_ =	shalt  }
0x87: {  	_ =	shalt  }
.Lfunc_end0:
.L_simem_size_0:
called_computation_lowered:
.L_overlay_start_0:
0x88: {  	s2 =	sld [smem:$0x3FD9]  }
0x89: {  	s3 =	sld [smem:$0x3FFE];
	_ =	sdelay $0x1  }
0x8a: {  	s1 =	srdreg.scid  }
0x8b: {  	s0 =	sand.u32 $0x1, s1  }
0x8c: {  	s17 =	sshll.u32 s0, $0xA;
	s2 =	sadd.s32 s3, s2  }
0x8d: {  	s2 =	sadd.s32 s2, s17  }
0x8e: {  	[smem:$0x3FBC] =	sst s2  }
0x8f: {  	_ = 	snop  }
0x90: {  	s2 =	sld [smem:$0x3FC9]  }
0x91: {  	s18 =	sld [smem:$0x3FC8]  }
0x92: {  	s4 =	sld [smem:$0x3FC7]  }
0x93: {  	s5 =	sld [smem:$0x3FC6]  }
0x94: {  	s6 =	sld [smem:$0x3FC5]  }
0x95: {  	s7 =	sld [smem:$0x3FD0];
	(tm) =	ssettm $0x1  }
0x96: {  	s8 =	sld [smem:$0x3FFB];
	_ =	sdelay $0x3  }
0x97: {  	_ =	strace s8  }
0x98: {  	s8 =	sld [smem:$0x3FFC];
	_ =	sdelay $0x3  }
0x99: {  	_ =	strace s8  }
0x9a: {  	s8 =	sld [smem:$0x3FFD];
	_ =	sdelay $0x3  }
0x9b: {  	_ =	strace s8  }
0x9c: {  	_ =	strace $0x8FFFFFFF  }
0x9d: {  	s19 =	sld [smem:$0x3FDB];
	_ =	sdelay $0x1  }
0x9e: {  	s9 =	simm.s32 $_scs_section_size  }
0x9f: {  	s10 =	simm.s32 $_size__tile_overlayer_lowered;
	s11 =	simm.s32 $_tile_overlayer_lowered  }
0xa0: {  	s22 =	simm.s32 $0x1BFF;
	s21 =	sshll.u32 s11, $0x1;
	s8 =	sadd.s32 s9, s19  }
0xa1: {  	s12 =	simm.s32 $0x0;
	s20 =	sshll.u32 s10, $0x1;
	s10 =	sadd.s32 s21, s8  }
0xa2: {  	[timem:s12], [sflag:s22] =	dma.local [hbm:s10], s20  }
0xa3: {  	_ =	swait.ge [sflag:s22], s20  }
0xa4: {  	s9 =	ssub.s32 $0x0, s20;
	[sflag:s22] =	ssyncset.done $0x0  }
0xa5: {  	[sflag:s22] =	ssyncadd.s32 s9;
	_ =	sdelay $0x1  }
0xa6: {  	s23 =	simm.s32 $0x1B8B  }
0xa7: {  	_ =	swait.ge [sflag:s23], $0x1  }
0xa8: {  	[sflag:s23] =	ssyncset.done $0x0  }
0xa9: {  	s25 =	simm.s32 $0x1B8E;
	s24 =	sld [smem:$0x3FFE];
	[sflag:s23] =	ssyncadd.s32 $0xFFFFFFFF  }
0xaa: {  	s26 =	simm.s32 $execute0_lowered;
	[smem:$0x3FD2] =	sst s25  }
0xab: {  	s10 =	sshll.u32 s26, $0x1;
	_ =	strace $0x80000046;
	[dreg:$0x1] =	wrdreg $0xFFFFFFFF  }
0xac: {  	s28 =	simm.s32 $_size_execute0_lowered;
	s8 =	sadd.s32 s8, s10;
	[dreg:$0x0] =	wrdreg $0x0  }
0xad: {  	s10 =	sshll.u32 s28, $0x1;
	[dreg:$0x2] =	wrdreg s8  }
0xae: {  	[dreg:$0x3] =	wrdreg s10  }
0xaf: {  	[dreg:$0x4] =	wrdreg $0xC0  }
0xb0: {  	_ =	task [dreg:s12], $0x5FFFF  }
0xb1: {  	[dreg:$0x1] =	wrdreg $0xFFFFFFFF  }
0xb2: {  	[dreg:$0x0] =	wrdreg $0x60  }
0xb3: {  	[dreg:$0x2] =	wrdreg s2  }
0xb4: {  	[dreg:$0x3] =	wrdreg s18  }
0xb5: {  	[dreg:$0x4] =	wrdreg s5  }
0xb6: {  	[dreg:$0x5] =	wrdreg s6  }
0xb7: {  	[dreg:$0x6] =	wrdreg s4  }
0xb8: {  	[dreg:$0x7] =	wrdreg s24  }
0xb9: {  	[dreg:$0x8] =	wrdreg s7  }
0xba: {  	[dreg:$0x9] =	wrdreg $0x9  }
0xbb: {  	_ =	task.clear_ibuf [dreg:s12], $0xAFFFF;
	_ =	strace $0x90000046  }
0xbc: {  	s29 =	simm.s32 $0x9;
	_ =	strace $0x80000048  }
0xbd: {  	_ =	swait.ge [sflag:s29], $0x1  }
0xbe: {  	[sflag:s29] =	ssyncadd.s32 $0xFFFFFFFF  }
0xbf: {  	_ =	strace $0x90000048  }
0xc0: {  	_ =	sfence  }
0xc1: {  	s30 =	sld [smem:$0x0];
	_ =	sdelay $0x2  }
0xc2: {  	s31 =	sshll.u32 s1, $0xD;
	s1 =	sshrl.u32 s1, $0x2  }
0xc3: {  	s3 =	sand.u32 $0x4000, s31;
	s1 =	sadd.s32 s1, s30  }
0xc4: {  	s0 =	sor.u32 s3, s0;
	s1 =	sshll.u32 s1, $0x11  }
0xc5: {  	s0 =	sor.u32 s1, s0  }
0xc6: {  	s0 =	sadd.s32 $0x8F2B, s0  }
0xc7: {  	[sflag:s0] =	ssyncadd.remote.s32 $0x1  }
0xc8: {  	_ =	sfence.sel $0xFFFF  }
0xc9: {  	[dreg:$0x0] =	wrdreg $0xFFFFFFFF;
	(pc) =	sbr.abs _section_cstart, $3  }
0xca: {  	[dreg:$0x1] =	wrdreg $0xFFFFFFFF  }
0xcb: {  	_ =	task.clear_ibuf [dreg:s12], $0x2FFFF;
	_ =	strace $0x9FFFFFFF  }
0xcc: {  	(tm) =	ssettm $0x7FFFFFFF  }
0xcd: {  	_ =	shalt  }
tec
execute0_lowered:
.L_overlay_start_1:
0x0: {  	(tag) =	ssettag $0x1  }
0x1: {  	s0 =	rddreg [dreg:$0x0]  }
0x2: {  	s4 =	rddreg [dreg:$0x1]  }
0x3: {  	s1 =	rddreg [dreg:$0x2]  }
0x4: {  	s2 =	rddreg [dreg:$0x3]  }
0x5: {  	s3 =	rddreg [dreg:$0x4]  }
0x6: {  	s7 =	rddreg [dreg:$0x5]  }
0x7: {  	s13 =	rddreg [dreg:$0x6];
	s5 =	simm.s32 $0x0  }
0x8: {  	s6 =	srdreg.scid;
	s9 =	stileid.u32;
	s16 =	simm.s32 $0x200  }
0x9: {  	s17 =	simm.s32 $0x18400;
	s18 =	simm.s32 $0x80;
	s19 =	simm.s32 $0x400  }
0xa: {  	s22 =	simm.s32 $0xC400;
	s23 =	simm.s32 $0x280;
	s24 =	simm.s32 $0x10400  }
0xb: {  	s25 =	simm.s32 $0x14400;
	s26 =	simm.s32 $0x1;
	s28 =	simm.s32 $0x3  }
0xc: {  	s30 =	simm.s32 $0x300;
	s31 =	simm.s32 $0x2;
	s29 =	simm.s32 $0x4  }
0xd: {  	[smem:$0x7FF] =	sst s5;
	s8 =	sand.u32 $0x1, s6;
	s9 =	sshll.u32 s9, $0xA  }
0xe: {  	s6 =	sadd.s32 $0xA00, s7;
	s10 =	sshll.u32 s8, $0x9;
	s8 =	ssub.s32 $0x2, s8  }
0xf: {  	_ =	strace $0x80000047;
	s9 =	sor.u32 s10, s9;
	s11 =	sshrl.u32 s8, $0x1  }
0x10: {  	s10 =	sshll.u32 s9, $0x4;
	s14 =	sshrl.u32 s9, $0x3;
	s15 =	ssub.s32 s8, s11  }
0x11: {  	s12 =	sadd.s32 s10, s7;
	s7 =	sadd.s32 s0, s14;
	s8 =	sadd.s32 s4, s14  }
0x12: {  	s13 =	sadd.s32 s13, s14;
	s14 =	smax.u32 s15, $0x1;
	s15 =	simm.s32 $0x5  }
0x13: {  	s4 =	simm.s32 $0x380;
	s0 =	simm.s32 $0x0;
	s9 =	sadd.s32 $0x3C00, s12  }
0x14: {  	s10 =	sadd.s32 $0x4400, s12;
	s11 =	sadd.s32 $0x4C00, s12;
	s12 =	sadd.s32 $0x5400, s12  }
.LBB2_1:
0x15: {  	[tilespmem:s5], [sflag:$0x5] =	stream.linear.gather [hbm4b:s7+s5], $0x200, $0x38;
	[tilespmem:$0x18600] =	vst v63  }
0x16: {  	_ =	swait.ge [sflag:s15], $0x200  }
0x17: {  	[sflag:s15] =	ssyncset.done $0x0  }
0x18: {  	[sflag:s15] =	ssyncadd.s32 $0xFFFFFE00  }
0x19: {  	[tilespmem:s16], [sflag:$0x5] =	stream.linear.gather [hbm4b:s8+s5], $0x200, $0x38;
	[tilespmem:$0x18600] =	vst v63  }
0x1a: {  	_ =	swait.ge [sflag:s15], $0x200  }
0x1b: {  	[sflag:s15] =	ssyncset.done $0x0  }
0x1c: {  	[sflag:s15] =	ssyncadd.s32 $0xFFFFFE00  }
0x1d: {  	[tilespmem:s17], [sflag:$0x4] =	stream.indirect.gather [hbm4b:s6+s16], $0x1, s16, s16, $0xb8;
	[tilespmem:$0x18600] =	vst v63  }
0x1e: {  	_ = 	snop  }
0x1f: {  	[tilespmem:s19], [sflag:$0x1] =	stream.indirect.gather [hbm4b:s1+s18], $0x80, s5, s18, $0xb8;
	[tilespmem:$0x18600] =	vst v63  }
0x20: {  	s20 =	simm.s32 $0x4400  }
0x21: {  	[tilespmem:s20], [sflag:$0x1] =	stream.indirect.gather [hbm4b:s2+s18], $0x80, s16, s18, $0xb8;
	[tilespmem:$0x18600] =	vst v63  }
0x22: {  	s21 =	simm.s32 $0x8400  }
0x23: {  	[tilespmem:s21], [sflag:$0x1] =	stream.indirect.gather [hbm4b:s3+s18], $0x80, s16, s18, $0xb8;
	[tilespmem:$0x18600] =	vst v63  }
0x24: {  	_ = 	snop  }
0x25: {  	[tilespmem:s22], [sflag:$0x2] =	stream.indirect.gather [hbm4b:s1+s18], $0x80, s18, s18, $0xb8;
	[tilespmem:$0x18600] =	vst v63  }
0x26: {  	_ = 	snop  }
0x27: {  	[tilespmem:s24], [sflag:$0x2] =	stream.indirect.gather [hbm4b:s2+s18], $0x80, s23, s18, $0xb8;
	[tilespmem:$0x18600] =	vst v63  }
0x28: {  	_ = 	snop  }
0x29: {  	[tilespmem:s25], [sflag:$0x2] =	stream.indirect.gather [hbm4b:s3+s18], $0x80, s23, s18, $0xb8;
	[tilespmem:$0x18600] =	vst v63  }
0x2a: {  	_ =	swait.ge [sflag:s26], $0x4000  }
0x2b: {  	[sflag:s26] =	ssyncset.done $0x0  }
0x2c: {  	[sflag:s26] =	ssyncadd.s32 $0xFFFFC000  }
0x2d: {  	_ =	swait.ge [sflag:s26], $0x4000  }
0x2e: {  	[sflag:s26] =	ssyncset.done $0x0  }
0x2f: {  	[sflag:s26] =	ssyncadd.s32 $0xFFFFC000  }
0x30: {  	_ =	swait.ge [sflag:s26], $0x4000  }
0x31: {  	[sflag:s26] =	ssyncset.done $0x0  }
0x32: {  	s17 =	simm.s32 $0x0;
	[sflag:s26] =	ssyncadd.s32 $0xFFFFC000  }
0x33: {  	v0 =	vld [tilespmem:s17+$0x4400]  }
0x34: {  	v1 =	vld [tilespmem:s17+$0x4410];
	_ =	sdelay $0x3  }
0x35: {  	v0 =	vsub.f32 $0.0e+00, v0  }
0x36: {  	v2 =	vld [tilespmem:s17+$0x4420];
	v1 =	vsub.f32 $0.0e+00, v1  }
0x37: {  	v3 =	vld [tilespmem:s17+$0x4430];
	v0 =	vmul.f32 $1.442695020e+00, v0  }
0x38: {  	v4 =	vld [tilespmem:s17+$0x4440];
	v1 =	vmul.f32 $1.442695020e+00, v1  }
0x39: {  	(erf) = vpow2.f32 v0;
	v0 =	vld [tilespmem:s17+$0x4450]  }
0x3a: {  	(erf) = vpow2.f32 v1;
	v1 =	vld [tilespmem:s17+$0x4460];
	_ =	sdelay $0x1  }
0x3b: {  	v5 =	vld [tilespmem:s17+$0x4470];
	v2 =	vsub.f32 $0.0e+00, v2  }
0x3c: {  	v6 =	vld [tilespmem:s17+$0x400];
	v3 =	vsub.f32 $0.0e+00, v3  }
0x3d: {  	v9 =	vld [tilespmem:s17+$0x410];
	v4 =	vsub.f32 $0.0e+00, v4;
	v7 =	vmul.f32 $1.442695020e+00, v2;
	v0 =	vsub.f32 $0.0e+00, v0  }
0x3e: {  	v8 =	vmul.f32 $1.442695020e+00, v3;
	v3 =	vld [tilespmem:s17+$0x420];
	v1 =	vsub.f32 $0.0e+00, v1  }
0x3f: {  	v10 =	vmul.f32 $1.442695020e+00, v4;
	v2 =	vld [tilespmem:s17+$0x430];
	(erf) = vpow2.f32 v7  }
0x40: {  	v12 =	vsub.f32 $0.0e+00, v5;
	v4 =	vld [tilespmem:s17+$0x440];
	(erf) = vpow2.f32 v8;
	v11 =	vmul.f32 $1.442695020e+00, v0  }
0x41: {  	v5 =	vld [tilespmem:s17+$0x450];
	v8 =	vsub.f32 $0.0e+00, v6;
	v7 =	vmul.f32 $1.442695020e+00, v1;
	v0 =	vpop (erf);
	(erf) = vpow2.f32 v10  }
0x42: {  	s20 =	simm.s32 $0x200;
	v9 =	vsub.f32 $0.0e+00, v9;
	v6 =	vld [tilespmem:s17+$0x460];
	v10 =	vmul.f32 $1.442695020e+00, v12;
	v1 =	vpop (erf);
	(erf) = vpow2.f32 v11  }
.LBB2_2:
0x43: {  	p0 =	sne.s32 s20, $0xFE00;
	v8 =	vmul.f32 $1.442695020e+00, v8;
	v3 =	vsub.f32 $0.0e+00, v3;
	v11 =	vld [tilespmem:s17+$0x470];
	(erf) = vpow2.f32 v7  }
0x44: {  	v7 =	vmul.f32 $1.442695020e+00, v9;
	v2 =	vsub.f32 $0.0e+00, v2;
	(erf) = vpow2.f32 v10  }
0x45: {  	s21 =	sshra.s32 s20, $0x2;
	v3 =	vmul.f32 $1.442695020e+00, v3;
	v4 =	vsub.f32 $0.0e+00, v4;
	(erf) = vpow2.f32 v8  }
0x46: {  	v8 =	vld [tilespmem:s21+$0x4400];
	v2 =	vmul.f32 $1.442695020e+00, v2;
	v5 =	vsub.f32 $0.0e+00, v5;
	(erf) = vpow2.f32 v7  }
0x47: {  	v7 =	vld [tilespmem:s21+$0x4410];
	v4 =	vmul.f32 $1.442695020e+00, v4;
	v10 =	vsub.f32 $0.0e+00, v6;
	(erf) = vpow2.f32 v3  }
0x48: {  	v12 =	vmul.f32 $1.442695020e+00, v5;
	v11 =	vsub.f32 $0.0e+00, v11;
	v9 =	vpop (erf);
	(erf) = vpow2.f32 v2  }
0x49: {  	v2 =	vmul.f32 $1.442695020e+00, v10;
	v6 =	vpop (erf);
	(erf) = vpow2.f32 v4  }
0x4a: {  	v4 =	vmul.f32 $1.442695020e+00, v11;
	v5 =	vpop (erf);
	(erf) = vpow2.f32 v12  }
0x4b: {  	v3 =	vpop (erf);
	(erf) = vpow2.f32 v2  }
0x4c: {  	v2 =	vsub.f32 $0.0e+00, v8;
	v7 =	vsub.f32 $0.0e+00, v7;
	v8 =	vpop (erf);
	(erf) = vpow2.f32 v4  }
0x4d: {  	v10 =	vadd.f32 $1.000000000e+00, v1;
	v4 =	vadd.f32 $1.000000000e+00, v0;
	v11 =	vpop (erf)  }
0x4e: {  	v12 =	vadd.f32 $1.000000000e+00, v9;
	v13 =	vadd.f32 $1.000000000e+00, v6;
	v14 =	vpop (erf)  }
0x4f: {  	v16 =	vadd.f32 $1.000000000e+00, v5;
	v15 =	vadd.f32 $1.000000000e+00, v14;
	v17 =	vpop (erf)  }
0x50: {  	v19 =	vadd.f32 $1.000000000e+00, v3;
	v18 =	vadd.f32 $1.000000000e+00, v17;
	v20 =	vpop (erf)  }
0x51: {  	v21 =	vadd.f32 $1.000000000e+00, v8;
	v27 =	vmul.f32 v4, v15;
	v15 =	vadd.f32 $1.000000000e+00, v20;
	v22 =	vpop (erf)  }
0x52: {  	v24 =	vadd.f32 $1.000000000e+00, v11;
	v23 =	vld [tilespmem:s21+$0x4420];
	v28 =	vmul.f32 v10, v18;
	v18 =	vadd.f32 $1.000000000e+00, v22;
	v25 =	vpop (erf)  }
0x53: {  	v26 =	vld [tilespmem:s21+$0x4430];
	v29 =	vmul.f32 v12, v15;
	v15 =	vadd.f32 $1.000000000e+00, v25;
	(erf) = vrcp.f32 v27;
	v4 =	vpop (erf)  }
0x54: {  	v27 =	vld [tilespmem:s21+$0x4440];
	v13 =	vmul.f32 v13, v18;
	v18 =	vadd.f32 $1.000000000e+00, v4;
	(erf) = vrcp.f32 v28;
	v10 =	vpop (erf)  }
0x55: {  	v28 =	vld [tilespmem:s21+$0x4450];
	v15 =	vmul.f32 v16, v15;
	v16 =	vadd.f32 $1.000000000e+00, v10;
	(erf) = vrcp.f32 v29;
	v12 =	vpop (erf)  }
0x56: {  	v18 =	vmul.f32 v19, v18;
	v19 =	vadd.f32 $1.000000000e+00, v12;
	(erf) = vrcp.f32 v13  }
0x57: {  	v13 =	vsub.f32 $0.0e+00, v23;
	v16 =	vmul.f32 v21, v16;
	(erf) = vrcp.f32 v15  }
0x58: {  	v15 =	vsub.f32 $0.0e+00, v26;
	v21 =	vld [tilespmem:s17+$0x8400];
	v19 =	vmul.f32 v24, v19;
	(erf) = vrcp.f32 v18  }
0x59: {  	v2 =	vmul.f32 $1.442695020e+00, v2;
	v18 =	vsub.f32 $0.0e+00, v27;
	v23 =	vld [tilespmem:s17+$0x8410];
	(erf) = vrcp.f32 v16  }
0x5a: {  	v7 =	vmul.f32 $1.442695020e+00, v7;
	v16 =	vsub.f32 $0.0e+00, v28;
	v24 =	vld [tilespmem:s17+$0x8420];
	(erf) = vrcp.f32 v19  }
0x5b: {  	v0 =	vsub.f32 v0, v14;
	v13 =	vmul.f32 $1.442695020e+00, v13;
	v15 =	vmul.f32 $1.442695020e+00, v15;
	v14 =	vld [tilespmem:s17+$0x8430]  }
0x5c: {  	v1 =	vsub.f32 v1, v17;
	v18 =	vmul.f32 $1.442695020e+00, v18;
	v16 =	vmul.f32 $1.442695020e+00, v16;
	v17 =	vld [tilespmem:s17+$0x8440];
	v19 =	vpop (erf)  }
0x5d: {  	(erf) = vpow2.f32 v2;
	v0 =	vmul.f32 v19, v0;
	v2 =	vsub.f32 v9, v20;
	v9 =	vld [tilespmem:s17+$0x8450];
	v19 =	vpop (erf)  }
0x5e: {  	v6 =	vsub.f32 v6, v22;
	(erf) = vpow2.f32 v7;
	v1 =	vmul.f32 v19, v1;
	v7 =	vld [tilespmem:s17+$0x8460];
	v19 =	vpop (erf)  }
0x5f: {  	v22 =	vsub.f32 v5, v25;
	v0 =	vmul.f32 v0, v21;
	v2 =	vmul.f32 v19, v2;
	v19 =	vld [tilespmem:s17+$0x8470];
	v20 =	vpop (erf)  }
0x60: {  	v21 =	vld [tilespmem:s21+$0x4460];
	v1 =	vmul.f32 v1, v23;
	v6 =	vmul.f32 v20, v6;
	v23 =	vsub.f32 v3, v4;
	v4 =	vpop (erf)  }
0x61: {  	v20 =	vld [tilespmem:s21+$0x4470];
	[tilespmem:s17+$0x400] =	vst v0;
	v0 =	vmul.f32 v2, v24;
	v22 =	vmul.f32 v4, v22;
	v4 =	vsub.f32 v8, v10;
	v5 =	vpop (erf)  }
0x62: {  	v8 =	vld [tilespmem:s21+$0x400];
	[tilespmem:s17+$0x410] =	vst v1;
	v1 =	vmul.f32 v6, v14;
	v5 =	vmul.f32 v5, v23;
	v6 =	vsub.f32 v11, v12;
	v3 =	vpop (erf)  }
0x63: {  	v10 =	vld [tilespmem:s21+$0x410];
	[tilespmem:s17+$0x420] =	vst v0;
	v12 =	vmul.f32 v22, v17;
	v4 =	vmul.f32 v3, v4;
	v2 =	vpop (erf)  }
.Ltmp0:
0x64: {  	v3 =	vld [tilespmem:s21+$0x420];
	[tilespmem:s17+$0x430] =	vst v1;
	v14 =	vmul.f32 v5, v9;
	v5 =	vmul.f32 v2, v6;
	(pc) =	sbr.rel @p0 .LBB2_2-.Ltmp0, $4  }
0x65: {  	v2 =	vld [tilespmem:s21+$0x430];
	v6 =	vsub.f32 $0.0e+00, v21;
	(erf) = vpow2.f32 v13;
	[tilespmem:s17+$0x440] =	vst v12;
	v9 =	vmul.f32 v4, v7  }
0x66: {  	v4 =	vld [tilespmem:s21+$0x440];
	v11 =	vsub.f32 $0.0e+00, v20;
	v0 =	vpop (erf);
	(erf) = vpow2.f32 v15;
	[tilespmem:s17+$0x450] =	vst v14;
	v12 =	vmul.f32 v5, v19  }
0x67: {  	v8 =	vsub.f32 $0.0e+00, v8;
	v5 =	vld [tilespmem:s21+$0x450];
	v7 =	vmul.f32 $1.442695020e+00, v6;
	v1 =	vpop (erf);
	(erf) = vpow2.f32 v18;
	[tilespmem:s17+$0x460] =	vst v9  }
0x68: {  	s20 =	sadd.s32 $0x200, s20;
	v9 =	vsub.f32 $0.0e+00, v10;
	v6 =	vld [tilespmem:s21+$0x460];
	v10 =	vmul.f32 $1.442695020e+00, v11;
	(erf) = vpow2.f32 v16;
	[tilespmem:s17+$0x470] =	vst v12;
	s17 =	smov.u32 s21  }
0x69: {  	v8 =	vmul.f32 $1.442695020e+00, v8;
	v3 =	vsub.f32 $0.0e+00, v3;
	v11 =	vld [tilespmem:s17+$0x470]  }
0x6a: {  	(erf) = vpow2.f32 v7;
	v7 =	vmul.f32 $1.442695020e+00, v9  }
0x6b: {  	v2 =	vsub.f32 $0.0e+00, v2;
	(erf) = vpow2.f32 v10;
	v3 =	vmul.f32 $1.442695020e+00, v3  }
0x6c: {  	v4 =	vsub.f32 $0.0e+00, v4;
	(erf) = vpow2.f32 v8;
	v5 =	vsub.f32 $0.0e+00, v5  }
0x6d: {  	v2 =	vmul.f32 $1.442695020e+00, v2;
	(erf) = vpow2.f32 v7;
	v6 =	vsub.f32 $0.0e+00, v6  }
0x6e: {  	(erf) = vpow2.f32 v3;
	v3 =	vmul.f32 $1.442695020e+00, v5;
	v5 =	vsub.f32 $0.0e+00, v11  }
0x6f: {  	v4 =	vmul.f32 $1.442695020e+00, v4  }
0x70: {  	v7 =	vpop (erf);
	(erf) = vpow2.f32 v2;
	v2 =	vmul.f32 $1.442695020e+00, v6  }
0x71: {  	v6 =	vpop (erf);
	(erf) = vpow2.f32 v4  }
0x72: {  	v4 =	vmul.f32 $1.442695020e+00, v5;
	v5 =	vpop (erf)  }
0x73: {  	(erf) = vpow2.f32 v3;
	v3 =	vpop (erf)  }
0x74: {  	(erf) = vpow2.f32 v2;
	v2 =	vpop (erf)  }
0x75: {  	v9 =	vpop (erf)  }
0x76: {  	v8 =	vadd.f32 $1.000000000e+00, v1;
	(erf) = vpow2.f32 v4;
	v12 =	vpop (erf)  }
0x77: {  	v4 =	vadd.f32 $1.000000000e+00, v0;
	v13 =	vadd.f32 $1.000000000e+00, v12;
	v15 =	vpop (erf)  }
0x78: {  	v10 =	vadd.f32 $1.000000000e+00, v7;
	v16 =	vadd.f32 $1.000000000e+00, v15;
	v18 =	vpop (erf)  }
0x79: {  	v11 =	vadd.f32 $1.000000000e+00, v6;
	v4 =	vmul.f32 v4, v13;
	v45 =	vadd.f32 $1.000000000e+00, v18;
	v20 =	vpop (erf)  }
0x7a: {  	v14 =	vadd.f32 $1.000000000e+00, v5;
	v8 =	vmul.f32 v8, v16;
	v46 =	vadd.f32 $1.000000000e+00, v20;
	v22 =	vpop (erf)  }
0x7b: {  	v10 =	vmul.f32 v10, v45;
	v47 =	vadd.f32 $1.000000000e+00, v22;
	(erf) = vrcp.f32 v4  }
0x7c: {  	v11 =	vmul.f32 v11, v46;
	(erf) = vrcp.f32 v8  }
0x7d: {  	v4 =	vpop (erf);
	v13 =	vmul.f32 v14, v47;
	(erf) = vrcp.f32 v10  }
0x7e: {  	v17 =	vadd.f32 $1.000000000e+00, v3;
	v48 =	vadd.f32 $1.000000000e+00, v4;
	v8 =	vpop (erf);
	(erf) = vrcp.f32 v11  }
0x7f: {  	v19 =	vadd.f32 $1.000000000e+00, v2;
	v49 =	vadd.f32 $1.000000000e+00, v8;
	v10 =	vpop (erf);
	(erf) = vrcp.f32 v13  }
0x80: {  	v21 =	vadd.f32 $1.000000000e+00, v9;
	v16 =	vmul.f32 v17, v48;
	v50 =	vadd.f32 $1.000000000e+00, v10  }
0x81: {  	v11 =	vmul.f32 v19, v49  }
0x82: {  	v51 =	vmul.f32 v21, v50;
	(erf) = vrcp.f32 v16  }
0x83: {  	v52 =	vld [tilespmem:s17+$0x8400];
	(erf) = vrcp.f32 v11  }
0x84: {  	v0 =	vsub.f32 v0, v12;
	(erf) = vrcp.f32 v51;
	v55 =	vpop (erf)  }
0x85: {  	v1 =	vsub.f32 v1, v15;
	v11 =	vld [tilespmem:s17+$0x8410];
	v57 =	vpop (erf)  }
0x86: {  	v53 =	vld [tilespmem:s17+$0x8420];
	v6 =	vsub.f32 v6, v20;
	v0 =	vmul.f32 v55, v0;
	v59 =	vpop (erf)  }
0x87: {  	v54 =	vld [tilespmem:s17+$0x8430];
	v7 =	vsub.f32 v7, v18;
	v5 =	vsub.f32 v5, v22;
	v1 =	vmul.f32 v57, v1;
	v61 =	vpop (erf)  }
0x88: {  	v56 =	vld [tilespmem:s17+$0x8440];
	v3 =	vsub.f32 v3, v4;
	v0 =	vmul.f32 v0, v52;
	v6 =	vmul.f32 v61, v6;
	v4 =	vpop (erf)  }
0x89: {  	v58 =	vld [tilespmem:s17+$0x8450];
	v7 =	vmul.f32 v59, v7;
	v4 =	vmul.f32 v4, v5  }
0x8a: {  	v60 =	vld [tilespmem:s17+$0x8460];
	v1 =	vmul.f32 v1, v11  }
0x8b: {  	v62 =	vld [tilespmem:s17+$0x8470];
	v2 =	vsub.f32 v2, v8;
	[tilespmem:s17+$0x400] =	vst v0;
	v0 =	vmul.f32 v7, v53;
	v5 =	vpop (erf)  }
0x8c: {  	[tilespmem:s17+$0x410] =	vst v1;
	v1 =	vmul.f32 v6, v54;
	v3 =	vmul.f32 v5, v3;
	v5 =	vsub.f32 v9, v10;
	v6 =	vpop (erf)  }
0x8d: {  	[tilespmem:s17+$0x420] =	vst v0;
	v0 =	vmul.f32 v4, v56;
	v2 =	vmul.f32 v6, v2;
	v4 =	vpop (erf)  }
0x8e: {  	[tilespmem:s17+$0x430] =	vst v1;
	v1 =	vmul.f32 v3, v58;
	v3 =	vmul.f32 v4, v5  }
0x8f: {  	[tilespmem:s17+$0x440] =	vst v0;
	v0 =	vmul.f32 v2, v60  }
0x90: {  	[tilespmem:s17+$0x450] =	vst v1;
	v1 =	vmul.f32 v3, v62  }
0x91: {  	[tilespmem:s17+$0x460] =	vst v0  }
0x92: {  	s20 =	simm.s32 $0x0;
	[tilespmem:s17+$0x470] =	vst v1  }
0x93: {  	[hbm4b:s9+s20] =	stream.linear.scatter [tilespmem:s19], [sflag:$0x3], $0x4000, $0x38;
	[tilespmem:$0x18600] =	vst v63  }
0x94: {  	_ =	swait.ge [sflag:s28], $0x4000  }
0x95: {  	[sflag:s28] =	ssyncset.done $0x0  }
0x96: {  	s21 =	simm.s32 $0x100;
	[sflag:s28] =	ssyncadd.s32 $0xFFFFC000  }
0x97: {  	[tilespmem:s19], [sflag:$0x1] =	stream.indirect.gather [hbm4b:s1+s18], $0x80, s21, s18, $0xb8;
	[tilespmem:$0x18600] =	vst v63  }
0x98: {  	s20 =	simm.s32 $0x4400  }
0x99: {  	[tilespmem:s20], [sflag:$0x1] =	stream.indirect.gather [hbm4b:s2+s18], $0x80, s30, s18, $0xb8;
	[tilespmem:$0x18600] =	vst v63  }
0x9a: {  	s21 =	simm.s32 $0x8400  }
0x9b: {  	[tilespmem:s21], [sflag:$0x1] =	stream.indirect.gather [hbm4b:s3+s18], $0x80, s30, s18, $0xb8;
	[tilespmem:$0x18600] =	vst v63  }
0x9c: {  	_ =	swait.ge [sflag:s31], $0x4000  }
0x9d: {  	[sflag:s31] =	ssyncset.done $0x0  }
0x9e: {  	[sflag:s31] =	ssyncadd.s32 $0xFFFFC000  }
0x9f: {  	_ =	swait.ge [sflag:s31], $0x4000  }
0xa0: {  	[sflag:s31] =	ssyncset.done $0x0  }
0xa1: {  	[sflag:s31] =	ssyncadd.s32 $0xFFFFC000  }
0xa2: {  	_ =	swait.ge [sflag:s31], $0x4000  }
0xa3: {  	[sflag:s31] =	ssyncset.done $0x0  }
0xa4: {  	s17 =	simm.s32 $0x0;
	[sflag:s31] =	ssyncadd.s32 $0xFFFFC000  }
0xa5: {  	v0 =	vld [tilespmem:s17+$0x10400]  }
0xa6: {  	v1 =	vld [tilespmem:s17+$0x10410];
	_ =	sdelay $0x3  }
0xa7: {  	v0 =	vsub.f32 $0.0e+00, v0  }
0xa8: {  	v2 =	vld [tilespmem:s17+$0x10420];
	v1 =	vsub.f32 $0.0e+00, v1  }
0xa9: {  	v3 =	vld [tilespmem:s17+$0x10430];
	v0 =	vmul.f32 $1.442695020e+00, v0  }
0xaa: {  	v4 =	vld [tilespmem:s17+$0x10440];
	v1 =	vmul.f32 $1.442695020e+00, v1  }
0xab: {  	(erf) = vpow2.f32 v0;
	v0 =	vld [tilespmem:s17+$0x10450]  }
0xac: {  	(erf) = vpow2.f32 v1;
	v1 =	vld [tilespmem:s17+$0x10460];
	_ =	sdelay $0x1  }
0xad: {  	v5 =	vld [tilespmem:s17+$0x10470];
	v2 =	vsub.f32 $0.0e+00, v2  }
0xae: {  	v6 =	vld [tilespmem:s17+$0xC400];
	v3 =	vsub.f32 $0.0e+00, v3  }
0xaf: {  	v9 =	vld [tilespmem:s17+$0xC410];
	v4 =	vsub.f32 $0.0e+00, v4;
	v7 =	vmul.f32 $1.442695020e+00, v2;
	v0 =	vsub.f32 $0.0e+00, v0  }
0xb0: {  	v8 =	vmul.f32 $1.442695020e+00, v3;
	v3 =	vld [tilespmem:s17+$0xC420];
	v1 =	vsub.f32 $0.0e+00, v1  }
0xb1: {  	v10 =	vmul.f32 $1.442695020e+00, v4;
	v2 =	vld [tilespmem:s17+$0xC430];
	(erf) = vpow2.f32 v7  }
0xb2: {  	v63 =	vsub.f32 $0.0e+00, v5;
	v4 =	vld [tilespmem:s17+$0xC440];
	(erf) = vpow2.f32 v8;
	v11 =	vmul.f32 $1.442695020e+00, v0  }
0xb3: {  	v5 =	vld [tilespmem:s17+$0xC450];
	v8 =	vsub.f32 $0.0e+00, v6;
	v7 =	vmul.f32 $1.442695020e+00, v1;
	v0 =	vpop (erf);
	(erf) = vpow2.f32 v10  }
0xb4: {  	s20 =	simm.s32 $0x200;
	v9 =	vsub.f32 $0.0e+00, v9;
	v6 =	vld [tilespmem:s17+$0xC460];
	v10 =	vmul.f32 $1.442695020e+00, v63;
	v1 =	vpop (erf);
	(erf) = vpow2.f32 v11  }
.LBB2_4:
0xb5: {  	p0 =	sne.s32 s20, $0xFE00;
	v8 =	vmul.f32 $1.442695020e+00, v8;
	v3 =	vsub.f32 $0.0e+00, v3;
	v11 =	vld [tilespmem:s17+$0xC470];
	(erf) = vpow2.f32 v7  }
0xb6: {  	v7 =	vmul.f32 $1.442695020e+00, v9;
	v2 =	vsub.f32 $0.0e+00, v2;
	(erf) = vpow2.f32 v10  }
0xb7: {  	s21 =	sshra.s32 s20, $0x2;
	v3 =	vmul.f32 $1.442695020e+00, v3;
	v4 =	vsub.f32 $0.0e+00, v4;
	(erf) = vpow2.f32 v8  }
0xb8: {  	v8 =	vld [tilespmem:s21+$0x10400];
	v2 =	vmul.f32 $1.442695020e+00, v2;
	v5 =	vsub.f32 $0.0e+00, v5;
	(erf) = vpow2.f32 v7  }
0xb9: {  	v7 =	vld [tilespmem:s21+$0x10410];
	v4 =	vmul.f32 $1.442695020e+00, v4;
	v10 =	vsub.f32 $0.0e+00, v6;
	(erf) = vpow2.f32 v3  }
0xba: {  	v12 =	vmul.f32 $1.442695020e+00, v5;
	v11 =	vsub.f32 $0.0e+00, v11;
	v9 =	vpop (erf);
	(erf) = vpow2.f32 v2  }
0xbb: {  	v2 =	vmul.f32 $1.442695020e+00, v10;
	v6 =	vpop (erf);
	(erf) = vpow2.f32 v4  }
0xbc: {  	v4 =	vmul.f32 $1.442695020e+00, v11;
	v5 =	vpop (erf);
	(erf) = vpow2.f32 v12  }
0xbd: {  	v3 =	vpop (erf);
	(erf) = vpow2.f32 v2  }
0xbe: {  	v2 =	vsub.f32 $0.0e+00, v8;
	v7 =	vsub.f32 $0.0e+00, v7;
	v8 =	vpop (erf);
	(erf) = vpow2.f32 v4  }
0xbf: {  	v10 =	vadd.f32 $1.000000000e+00, v1;
	v4 =	vadd.f32 $1.000000000e+00, v0;
	v11 =	vpop (erf)  }
0xc0: {  	v12 =	vadd.f32 $1.000000000e+00, v9;
	v13 =	vadd.f32 $1.000000000e+00, v6;
	v14 =	vpop (erf)  }
0xc1: {  	v16 =	vadd.f32 $1.000000000e+00, v5;
	v15 =	vadd.f32 $1.000000000e+00, v14;
	v17 =	vpop (erf)  }
0xc2: {  	v19 =	vadd.f32 $1.000000000e+00, v3;
	v18 =	vadd.f32 $1.000000000e+00, v17;
	v20 =	vpop (erf)  }
0xc3: {  	v21 =	vadd.f32 $1.000000000e+00, v8;
	v27 =	vmul.f32 v4, v15;
	v15 =	vadd.f32 $1.000000000e+00, v20;
	v22 =	vpop (erf)  }
0xc4: {  	v24 =	vadd.f32 $1.000000000e+00, v11;
	v23 =	vld [tilespmem:s21+$0x10420];
	v28 =	vmul.f32 v10, v18;
	v18 =	vadd.f32 $1.000000000e+00, v22;
	v25 =	vpop (erf)  }
0xc5: {  	v26 =	vld [tilespmem:s21+$0x10430];
	v29 =	vmul.f32 v12, v15;
	v15 =	vadd.f32 $1.000000000e+00, v25;
	(erf) = vrcp.f32 v27;
	v4 =	vpop (erf)  }
0xc6: {  	v27 =	vld [tilespmem:s21+$0x10440];
	v13 =	vmul.f32 v13, v18;
	v18 =	vadd.f32 $1.000000000e+00, v4;
	(erf) = vrcp.f32 v28;
	v10 =	vpop (erf)  }
0xc7: {  	v28 =	vld [tilespmem:s21+$0x10450];
	v15 =	vmul.f32 v16, v15;
	v16 =	vadd.f32 $1.000000000e+00, v10;
	(erf) = vrcp.f32 v29;
	v12 =	vpop (erf)  }
0xc8: {  	v18 =	vmul.f32 v19, v18;
	v19 =	vadd.f32 $1.000000000e+00, v12;
	(erf) = vrcp.f32 v13  }
0xc9: {  	v13 =	vsub.f32 $0.0e+00, v23;
	v16 =	vmul.f32 v21, v16;
	(erf) = vrcp.f32 v15  }
0xca: {  	v15 =	vsub.f32 $0.0e+00, v26;
	v21 =	vld [tilespmem:s17+$0x14400];
	v19 =	vmul.f32 v24, v19;
	(erf) = vrcp.f32 v18  }
0xcb: {  	v2 =	vmul.f32 $1.442695020e+00, v2;
	v18 =	vsub.f32 $0.0e+00, v27;
	v23 =	vld [tilespmem:s17+$0x14410];
	(erf) = vrcp.f32 v16  }
0xcc: {  	v7 =	vmul.f32 $1.442695020e+00, v7;
	v16 =	vsub.f32 $0.0e+00, v28;
	v24 =	vld [tilespmem:s17+$0x14420];
	(erf) = vrcp.f32 v19  }
0xcd: {  	v0 =	vsub.f32 v0, v14;
	v13 =	vmul.f32 $1.442695020e+00, v13;
	v15 =	vmul.f32 $1.442695020e+00, v15;
	v14 =	vld [tilespmem:s17+$0x14430]  }
0xce: {  	v1 =	vsub.f32 v1, v17;
	v18 =	vmul.f32 $1.442695020e+00, v18;
	v16 =	vmul.f32 $1.442695020e+00, v16;
	v17 =	vld [tilespmem:s17+$0x14440];
	v19 =	vpop (erf)  }
0xcf: {  	(erf) = vpow2.f32 v2;
	v0 =	vmul.f32 v19, v0;
	v2 =	vsub.f32 v9, v20;
	v9 =	vld [tilespmem:s17+$0x14450];
	v19 =	vpop (erf)  }
0xd0: {  	v6 =	vsub.f32 v6, v22;
	(erf) = vpow2.f32 v7;
	v1 =	vmul.f32 v19, v1;
	v7 =	vld [tilespmem:s17+$0x14460];
	v19 =	vpop (erf)  }
0xd1: {  	v22 =	vsub.f32 v5, v25;
	v0 =	vmul.f32 v0, v21;
	v2 =	vmul.f32 v19, v2;
	v19 =	vld [tilespmem:s17+$0x14470];
	v20 =	vpop (erf)  }
0xd2: {  	v21 =	vld [tilespmem:s21+$0x10460];
	v1 =	vmul.f32 v1, v23;
	v6 =	vmul.f32 v20, v6;
	v23 =	vsub.f32 v3, v4;
	v4 =	vpop (erf)  }
0xd3: {  	v20 =	vld [tilespmem:s21+$0x10470];
	[tilespmem:s17+$0xC400] =	vst v0;
	v0 =	vmul.f32 v2, v24;
	v22 =	vmul.f32 v4, v22;
	v4 =	vsub.f32 v8, v10;
	v5 =	vpop (erf)  }
0xd4: {  	v8 =	vld [tilespmem:s21+$0xC400];
	[tilespmem:s17+$0xC410] =	vst v1;
	v1 =	vmul.f32 v6, v14;
	v5 =	vmul.f32 v5, v23;
	v6 =	vsub.f32 v11, v12;
	v3 =	vpop (erf)  }
0xd5: {  	v10 =	vld [tilespmem:s21+$0xC410];
	[tilespmem:s17+$0xC420] =	vst v0;
	v12 =	vmul.f32 v22, v17;
	v4 =	vmul.f32 v3, v4;
	v2 =	vpop (erf)  }
.Ltmp1:
0xd6: {  	v3 =	vld [tilespmem:s21+$0xC420];
	[tilespmem:s17+$0xC430] =	vst v1;
	v14 =	vmul.f32 v5, v9;
	v5 =	vmul.f32 v2, v6;
	(pc) =	sbr.rel @p0 .LBB2_4-.Ltmp1, $4  }
0xd7: {  	v2 =	vld [tilespmem:s21+$0xC430];
	v6 =	vsub.f32 $0.0e+00, v21;
	(erf) = vpow2.f32 v13;
	[tilespmem:s17+$0xC440] =	vst v12;
	v9 =	vmul.f32 v4, v7  }
0xd8: {  	v4 =	vld [tilespmem:s21+$0xC440];
	v11 =	vsub.f32 $0.0e+00, v20;
	v0 =	vpop (erf);
	(erf) = vpow2.f32 v15;
	[tilespmem:s17+$0xC450] =	vst v14;
	v12 =	vmul.f32 v5, v19  }
0xd9: {  	v8 =	vsub.f32 $0.0e+00, v8;
	v5 =	vld [tilespmem:s21+$0xC450];
	v7 =	vmul.f32 $1.442695020e+00, v6;
	v1 =	vpop (erf);
	(erf) = vpow2.f32 v18;
	[tilespmem:s17+$0xC460] =	vst v9  }
0xda: {  	s20 =	sadd.s32 $0x200, s20;
	v9 =	vsub.f32 $0.0e+00, v10;
	v6 =	vld [tilespmem:s21+$0xC460];
	v10 =	vmul.f32 $1.442695020e+00, v11;
	(erf) = vpow2.f32 v16;
	[tilespmem:s17+$0xC470] =	vst v12;
	s17 =	smov.u32 s21  }
0xdb: {  	v8 =	vmul.f32 $1.442695020e+00, v8;
	v3 =	vsub.f32 $0.0e+00, v3;
	v11 =	vld [tilespmem:s17+$0xC470]  }
0xdc: {  	(erf) = vpow2.f32 v7;
	v7 =	vmul.f32 $1.442695020e+00, v9  }
0xdd: {  	v2 =	vsub.f32 $0.0e+00, v2;
	(erf) = vpow2.f32 v10;
	v3 =	vmul.f32 $1.442695020e+00, v3  }
0xde: {  	v4 =	vsub.f32 $0.0e+00, v4;
	(erf) = vpow2.f32 v8;
	v5 =	vsub.f32 $0.0e+00, v5  }
0xdf: {  	v2 =	vmul.f32 $1.442695020e+00, v2;
	(erf) = vpow2.f32 v7;
	v6 =	vsub.f32 $0.0e+00, v6  }
0xe0: {  	(erf) = vpow2.f32 v3;
	v3 =	vmul.f32 $1.442695020e+00, v5;
	v5 =	vsub.f32 $0.0e+00, v11  }
0xe1: {  	v4 =	vmul.f32 $1.442695020e+00, v4  }
0xe2: {  	v7 =	vpop (erf);
	(erf) = vpow2.f32 v2;
	v2 =	vmul.f32 $1.442695020e+00, v6  }
0xe3: {  	v6 =	vpop (erf);
	(erf) = vpow2.f32 v4  }
0xe4: {  	v4 =	vmul.f32 $1.442695020e+00, v5;
	v5 =	vpop (erf)  }
0xe5: {  	(erf) = vpow2.f32 v3;
	v3 =	vpop (erf)  }
0xe6: {  	(erf) = vpow2.f32 v2;
	v2 =	vpop (erf)  }
0xe7: {  	v9 =	vpop (erf)  }
0xe8: {  	v8 =	vadd.f32 $1.000000000e+00, v1;
	(erf) = vpow2.f32 v4;
	v12 =	vpop (erf)  }
0xe9: {  	v4 =	vadd.f32 $1.000000000e+00, v0;
	v13 =	vadd.f32 $1.000000000e+00, v12;
	v15 =	vpop (erf)  }
0xea: {  	v10 =	vadd.f32 $1.000000000e+00, v7;
	v16 =	vadd.f32 $1.000000000e+00, v15;
	v18 =	vpop (erf)  }
0xeb: {  	v11 =	vadd.f32 $1.000000000e+00, v6;
	v4 =	vmul.f32 v4, v13;
	v45 =	vadd.f32 $1.000000000e+00, v18;
	v20 =	vpop (erf)  }
0xec: {  	v14 =	vadd.f32 $1.000000000e+00, v5;
	v8 =	vmul.f32 v8, v16;
	v46 =	vadd.f32 $1.000000000e+00, v20;
	v22 =	vpop (erf)  }
0xed: {  	v10 =	vmul.f32 v10, v45;
	v47 =	vadd.f32 $1.000000000e+00, v22;
	(erf) = vrcp.f32 v4  }
0xee: {  	v11 =	vmul.f32 v11, v46;
	(erf) = vrcp.f32 v8  }
0xef: {  	v4 =	vpop (erf);
	v13 =	vmul.f32 v14, v47;
	(erf) = vrcp.f32 v10  }
0xf0: {  	v17 =	vadd.f32 $1.000000000e+00, v3;
	v48 =	vadd.f32 $1.000000000e+00, v4;
	v8 =	vpop (erf);
	(erf) = vrcp.f32 v11  }
0xf1: {  	v19 =	vadd.f32 $1.000000000e+00, v2;
	v49 =	vadd.f32 $1.000000000e+00, v8;
	v10 =	vpop (erf);
	(erf) = vrcp.f32 v13  }
0xf2: {  	v21 =	vadd.f32 $1.000000000e+00, v9;
	v16 =	vmul.f32 v17, v48;
	v50 =	vadd.f32 $1.000000000e+00, v10  }
0xf3: {  	v11 =	vmul.f32 v19, v49  }
0xf4: {  	v51 =	vmul.f32 v21, v50;
	(erf) = vrcp.f32 v16  }
0xf5: {  	v52 =	vld [tilespmem:s17+$0x14400];
	(erf) = vrcp.f32 v11  }
0xf6: {  	v0 =	vsub.f32 v0, v12;
	(erf) = vrcp.f32 v51;
	v55 =	vpop (erf)  }
0xf7: {  	v1 =	vsub.f32 v1, v15;
	v11 =	vld [tilespmem:s17+$0x14410];
	v57 =	vpop (erf)  }
0xf8: {  	v53 =	vld [tilespmem:s17+$0x14420];
	v6 =	vsub.f32 v6, v20;
	v0 =	vmul.f32 v55, v0;
	v59 =	vpop (erf)  }
0xf9: {  	v54 =	vld [tilespmem:s17+$0x14430];
	v7 =	vsub.f32 v7, v18;
	v5 =	vsub.f32 v5, v22;
	v1 =	vmul.f32 v57, v1;
	v61 =	vpop (erf)  }
0xfa: {  	v56 =	vld [tilespmem:s17+$0x14440];
	v3 =	vsub.f32 v3, v4;
	v0 =	vmul.f32 v0, v52;
	v6 =	vmul.f32 v61, v6;
	v4 =	vpop (erf)  }
0xfb: {  	v58 =	vld [tilespmem:s17+$0x14450];
	v7 =	vmul.f32 v59, v7;
	v4 =	vmul.f32 v4, v5  }
0xfc: {  	v60 =	vld [tilespmem:s17+$0x14460];
	v1 =	vmul.f32 v1, v11  }
0xfd: {  	v62 =	vld [tilespmem:s17+$0x14470];
	v2 =	vsub.f32 v2, v8;
	[tilespmem:s17+$0xC400] =	vst v0;
	v0 =	vmul.f32 v7, v53;
	v5 =	vpop (erf)  }
0xfe: {  	[tilespmem:s17+$0xC410] =	vst v1;
	v1 =	vmul.f32 v6, v54;
	v3 =	vmul.f32 v5, v3;
	v5 =	vsub.f32 v9, v10;
	v6 =	vpop (erf)  }
0xff: {  	[tilespmem:s17+$0xC420] =	vst v0;
	v0 =	vmul.f32 v4, v56;
	v2 =	vmul.f32 v6, v2;
	v4 =	vpop (erf)  }
0x100: {  	[tilespmem:s17+$0xC430] =	vst v1;
	v1 =	vmul.f32 v3, v58;
	v3 =	vmul.f32 v4, v5  }
0x101: {  	[tilespmem:s17+$0xC440] =	vst v0;
	v0 =	vmul.f32 v2, v60  }
0x102: {  	[tilespmem:s17+$0xC450] =	vst v1;
	v1 =	vmul.f32 v3, v62  }
0x103: {  	[tilespmem:s17+$0xC460] =	vst v0  }
0x104: {  	s20 =	simm.s32 $0x0;
	[tilespmem:s17+$0xC470] =	vst v1  }
0x105: {  	[hbm4b:s10+s20] =	stream.linear.scatter [tilespmem:s22], [sflag:$0x3], $0x4000, $0x38;
	[tilespmem:$0x18600] =	vst v63  }
0x106: {  	_ =	swait.ge [sflag:s28], $0x4000  }
0x107: {  	[sflag:s28] =	ssyncset.done $0x0  }
0x108: {  	s21 =	simm.s32 $0x180;
	[sflag:s28] =	ssyncadd.s32 $0xFFFFC000  }
0x109: {  	[tilespmem:s22], [sflag:$0x2] =	stream.indirect.gather [hbm4b:s1+s18], $0x80, s21, s18, $0xb8;
	[tilespmem:$0x18600] =	vst v63  }
0x10a: {  	_ = 	snop  }
0x10b: {  	[tilespmem:s24], [sflag:$0x2] =	stream.indirect.gather [hbm4b:s2+s18], $0x80, s4, s18, $0xb8;
	[tilespmem:$0x18600] =	vst v63  }
0x10c: {  	_ = 	snop  }
0x10d: {  	[tilespmem:s25], [sflag:$0x2] =	stream.indirect.gather [hbm4b:s3+s18], $0x80, s4, s18, $0xb8;
	[tilespmem:$0x18600] =	vst v63  }
0x10e: {  	_ =	swait.ge [sflag:s26], $0x4000  }
0x10f: {  	[sflag:s26] =	ssyncset.done $0x0  }
0x110: {  	[sflag:s26] =	ssyncadd.s32 $0xFFFFC000  }
0x111: {  	_ =	swait.ge [sflag:s26], $0x4000  }
0x112: {  	[sflag:s26] =	ssyncset.done $0x0  }
0x113: {  	[sflag:s26] =	ssyncadd.s32 $0xFFFFC000  }
0x114: {  	_ =	swait.ge [sflag:s26], $0x4000  }
0x115: {  	[sflag:s26] =	ssyncset.done $0x0  }
0x116: {  	s17 =	simm.s32 $0x0;
	[sflag:s26] =	ssyncadd.s32 $0xFFFFC000  }
0x117: {  	v0 =	vld [tilespmem:s17+$0x4400]  }
0x118: {  	v1 =	vld [tilespmem:s17+$0x4410];
	_ =	sdelay $0x3  }
0x119: {  	v0 =	vsub.f32 $0.0e+00, v0  }
0x11a: {  	v2 =	vld [tilespmem:s17+$0x4420];
	v1 =	vsub.f32 $0.0e+00, v1  }
0x11b: {  	v3 =	vld [tilespmem:s17+$0x4430];
	v0 =	vmul.f32 $1.442695020e+00, v0  }
0x11c: {  	v4 =	vld [tilespmem:s17+$0x4440];
	v1 =	vmul.f32 $1.442695020e+00, v1  }
0x11d: {  	(erf) = vpow2.f32 v0;
	v0 =	vld [tilespmem:s17+$0x4450]  }
0x11e: {  	(erf) = vpow2.f32 v1;
	v1 =	vld [tilespmem:s17+$0x4460];
	_ =	sdelay $0x1  }
0x11f: {  	v5 =	vld [tilespmem:s17+$0x4470];
	v2 =	vsub.f32 $0.0e+00, v2  }
0x120: {  	v6 =	vld [tilespmem:s17+$0x400];
	v3 =	vsub.f32 $0.0e+00, v3  }
0x121: {  	v9 =	vld [tilespmem:s17+$0x410];
	v4 =	vsub.f32 $0.0e+00, v4;
	v7 =	vmul.f32 $1.442695020e+00, v2;
	v0 =	vsub.f32 $0.0e+00, v0  }
0x122: {  	v8 =	vmul.f32 $1.442695020e+00, v3;
	v3 =	vld [tilespmem:s17+$0x420];
	v1 =	vsub.f32 $0.0e+00, v1  }
0x123: {  	v10 =	vmul.f32 $1.442695020e+00, v4;
	v2 =	vld [tilespmem:s17+$0x430];
	(erf) = vpow2.f32 v7  }
0x124: {  	v63 =	vsub.f32 $0.0e+00, v5;
	v4 =	vld [tilespmem:s17+$0x440];
	(erf) = vpow2.f32 v8;
	v11 =	vmul.f32 $1.442695020e+00, v0  }
0x125: {  	v5 =	vld [tilespmem:s17+$0x450];
	v8 =	vsub.f32 $0.0e+00, v6;
	v7 =	vmul.f32 $1.442695020e+00, v1;
	v0 =	vpop (erf);
	(erf) = vpow2.f32 v10  }
0x126: {  	s20 =	simm.s32 $0x200;
	v9 =	vsub.f32 $0.0e+00, v9;
	v6 =	vld [tilespmem:s17+$0x460];
	v10 =	vmul.f32 $1.442695020e+00, v63;
	v1 =	vpop (erf);
	(erf) = vpow2.f32 v11  }
.LBB2_6:
0x127: {  	p0 =	sne.s32 s20, $0xFE00;
	v8 =	vmul.f32 $1.442695020e+00, v8;
	v3 =	vsub.f32 $0.0e+00, v3;
	v11 =	vld [tilespmem:s17+$0x470];
	(erf) = vpow2.f32 v7  }
0x128: {  	v7 =	vmul.f32 $1.442695020e+00, v9;
	v2 =	vsub.f32 $0.0e+00, v2;
	(erf) = vpow2.f32 v10  }
0x129: {  	s21 =	sshra.s32 s20, $0x2;
	v3 =	vmul.f32 $1.442695020e+00, v3;
	v4 =	vsub.f32 $0.0e+00, v4;
	(erf) = vpow2.f32 v8  }
0x12a: {  	v8 =	vld [tilespmem:s21+$0x4400];
	v2 =	vmul.f32 $1.442695020e+00, v2;
	v5 =	vsub.f32 $0.0e+00, v5;
	(erf) = vpow2.f32 v7  }
0x12b: {  	v7 =	vld [tilespmem:s21+$0x4410];
	v4 =	vmul.f32 $1.442695020e+00, v4;
	v10 =	vsub.f32 $0.0e+00, v6;
	(erf) = vpow2.f32 v3  }
0x12c: {  	v12 =	vmul.f32 $1.442695020e+00, v5;
	v11 =	vsub.f32 $0.0e+00, v11;
	v9 =	vpop (erf);
	(erf) = vpow2.f32 v2  }
0x12d: {  	v2 =	vmul.f32 $1.442695020e+00, v10;
	v6 =	vpop (erf);
	(erf) = vpow2.f32 v4  }
0x12e: {  	v4 =	vmul.f32 $1.442695020e+00, v11;
	v5 =	vpop (erf);
	(erf) = vpow2.f32 v12  }
0x12f: {  	v3 =	vpop (erf);
	(erf) = vpow2.f32 v2  }
0x130: {  	v2 =	vsub.f32 $0.0e+00, v8;
	v7 =	vsub.f32 $0.0e+00, v7;
	v8 =	vpop (erf);
	(erf) = vpow2.f32 v4  }
0x131: {  	v10 =	vadd.f32 $1.000000000e+00, v1;
	v4 =	vadd.f32 $1.000000000e+00, v0;
	v11 =	vpop (erf)  }
0x132: {  	v12 =	vadd.f32 $1.000000000e+00, v9;
	v13 =	vadd.f32 $1.000000000e+00, v6;
	v14 =	vpop (erf)  }
0x133: {  	v16 =	vadd.f32 $1.000000000e+00, v5;
	v15 =	vadd.f32 $1.000000000e+00, v14;
	v17 =	vpop (erf)  }
0x134: {  	v19 =	vadd.f32 $1.000000000e+00, v3;
	v18 =	vadd.f32 $1.000000000e+00, v17;
	v20 =	vpop (erf)  }
0x135: {  	v21 =	vadd.f32 $1.000000000e+00, v8;
	v27 =	vmul.f32 v4, v15;
	v15 =	vadd.f32 $1.000000000e+00, v20;
	v22 =	vpop (erf)  }
0x136: {  	v24 =	vadd.f32 $1.000000000e+00, v11;
	v23 =	vld [tilespmem:s21+$0x4420];
	v28 =	vmul.f32 v10, v18;
	v18 =	vadd.f32 $1.000000000e+00, v22;
	v25 =	vpop (erf)  }
0x137: {  	v26 =	vld [tilespmem:s21+$0x4430];
	v29 =	vmul.f32 v12, v15;
	v15 =	vadd.f32 $1.000000000e+00, v25;
	(erf) = vrcp.f32 v27;
	v4 =	vpop (erf)  }
0x138: {  	v27 =	vld [tilespmem:s21+$0x4440];
	v13 =	vmul.f32 v13, v18;
	v18 =	vadd.f32 $1.000000000e+00, v4;
	(erf) = vrcp.f32 v28;
	v10 =	vpop (erf)  }
0x139: {  	v28 =	vld [tilespmem:s21+$0x4450];
	v15 =	vmul.f32 v16, v15;
	v16 =	vadd.f32 $1.000000000e+00, v10;
	(erf) = vrcp.f32 v29;
	v12 =	vpop (erf)  }
0x13a: {  	v18 =	vmul.f32 v19, v18;
	v19 =	vadd.f32 $1.000000000e+00, v12;
	(erf) = vrcp.f32 v13  }
0x13b: {  	v13 =	vsub.f32 $0.0e+00, v23;
	v16 =	vmul.f32 v21, v16;
	(erf) = vrcp.f32 v15  }
0x13c: {  	v15 =	vsub.f32 $0.0e+00, v26;
	v21 =	vld [tilespmem:s17+$0x8400];
	v19 =	vmul.f32 v24, v19;
	(erf) = vrcp.f32 v18  }
0x13d: {  	v2 =	vmul.f32 $1.442695020e+00, v2;
	v18 =	vsub.f32 $0.0e+00, v27;
	v23 =	vld [tilespmem:s17+$0x8410];
	(erf) = vrcp.f32 v16  }
0x13e: {  	v7 =	vmul.f32 $1.442695020e+00, v7;
	v16 =	vsub.f32 $0.0e+00, v28;
	v24 =	vld [tilespmem:s17+$0x8420];
	(erf) = vrcp.f32 v19  }
0x13f: {  	v0 =	vsub.f32 v0, v14;
	v13 =	vmul.f32 $1.442695020e+00, v13;
	v15 =	vmul.f32 $1.442695020e+00, v15;
	v14 =	vld [tilespmem:s17+$0x8430]  }
0x140: {  	v1 =	vsub.f32 v1, v17;
	v18 =	vmul.f32 $1.442695020e+00, v18;
	v16 =	vmul.f32 $1.442695020e+00, v16;
	v17 =	vld [tilespmem:s17+$0x8440];
	v19 =	vpop (erf)  }
0x141: {  	(erf) = vpow2.f32 v2;
	v0 =	vmul.f32 v19, v0;
	v2 =	vsub.f32 v9, v20;
	v9 =	vld [tilespmem:s17+$0x8450];
	v19 =	vpop (erf)  }
0x142: {  	v6 =	vsub.f32 v6, v22;
	(erf) = vpow2.f32 v7;
	v1 =	vmul.f32 v19, v1;
	v7 =	vld [tilespmem:s17+$0x8460];
	v19 =	vpop (erf)  }
0x143: {  	v22 =	vsub.f32 v5, v25;
	v0 =	vmul.f32 v0, v21;
	v2 =	vmul.f32 v19, v2;
	v19 =	vld [tilespmem:s17+$0x8470];
	v20 =	vpop (erf)  }
0x144: {  	v21 =	vld [tilespmem:s21+$0x4460];
	v1 =	vmul.f32 v1, v23;
	v6 =	vmul.f32 v20, v6;
	v23 =	vsub.f32 v3, v4;
	v4 =	vpop (erf)  }
0x145: {  	v20 =	vld [tilespmem:s21+$0x4470];
	[tilespmem:s17+$0x400] =	vst v0;
	v0 =	vmul.f32 v2, v24;
	v22 =	vmul.f32 v4, v22;
	v4 =	vsub.f32 v8, v10;
	v5 =	vpop (erf)  }
0x146: {  	v8 =	vld [tilespmem:s21+$0x400];
	[tilespmem:s17+$0x410] =	vst v1;
	v1 =	vmul.f32 v6, v14;
	v5 =	vmul.f32 v5, v23;
	v6 =	vsub.f32 v11, v12;
	v3 =	vpop (erf)  }
0x147: {  	v10 =	vld [tilespmem:s21+$0x410];
	[tilespmem:s17+$0x420] =	vst v0;
	v12 =	vmul.f32 v22, v17;
	v4 =	vmul.f32 v3, v4;
	v2 =	vpop (erf)  }
.Ltmp2:
0x148: {  	v3 =	vld [tilespmem:s21+$0x420];
	[tilespmem:s17+$0x430] =	vst v1;
	v14 =	vmul.f32 v5, v9;
	v5 =	vmul.f32 v2, v6;
	(pc) =	sbr.rel @p0 .LBB2_6-.Ltmp2, $4  }
0x149: {  	v2 =	vld [tilespmem:s21+$0x430];
	v6 =	vsub.f32 $0.0e+00, v21;
	(erf) = vpow2.f32 v13;
	[tilespmem:s17+$0x440] =	vst v12;
	v9 =	vmul.f32 v4, v7  }
0x14a: {  	v4 =	vld [tilespmem:s21+$0x440];
	v11 =	vsub.f32 $0.0e+00, v20;
	v0 =	vpop (erf);
	(erf) = vpow2.f32 v15;
	[tilespmem:s17+$0x450] =	vst v14;
	v12 =	vmul.f32 v5, v19  }
0x14b: {  	v8 =	vsub.f32 $0.0e+00, v8;
	v5 =	vld [tilespmem:s21+$0x450];
	v7 =	vmul.f32 $1.442695020e+00, v6;
	v1 =	vpop (erf);
	(erf) = vpow2.f32 v18;
	[tilespmem:s17+$0x460] =	vst v9  }
0x14c: {  	s20 =	sadd.s32 $0x200, s20;
	v9 =	vsub.f32 $0.0e+00, v10;
	v6 =	vld [tilespmem:s21+$0x460];
	v10 =	vmul.f32 $1.442695020e+00, v11;
	(erf) = vpow2.f32 v16;
	[tilespmem:s17+$0x470] =	vst v12;
	s17 =	smov.u32 s21  }
0x14d: {  	v8 =	vmul.f32 $1.442695020e+00, v8;
	v3 =	vsub.f32 $0.0e+00, v3;
	v11 =	vld [tilespmem:s17+$0x470]  }
0x14e: {  	(erf) = vpow2.f32 v7;
	v7 =	vmul.f32 $1.442695020e+00, v9  }
0x14f: {  	v2 =	vsub.f32 $0.0e+00, v2;
	(erf) = vpow2.f32 v10;
	v3 =	vmul.f32 $1.442695020e+00, v3  }
0x150: {  	v4 =	vsub.f32 $0.0e+00, v4;
	(erf) = vpow2.f32 v8;
	v5 =	vsub.f32 $0.0e+00, v5  }
0x151: {  	v2 =	vmul.f32 $1.442695020e+00, v2;
	(erf) = vpow2.f32 v7;
	v6 =	vsub.f32 $0.0e+00, v6  }
0x152: {  	(erf) = vpow2.f32 v3;
	v3 =	vmul.f32 $1.442695020e+00, v5;
	v5 =	vsub.f32 $0.0e+00, v11  }
0x153: {  	v4 =	vmul.f32 $1.442695020e+00, v4  }
0x154: {  	v7 =	vpop (erf);
	(erf) = vpow2.f32 v2;
	v2 =	vmul.f32 $1.442695020e+00, v6  }
0x155: {  	v6 =	vpop (erf);
	(erf) = vpow2.f32 v4  }
0x156: {  	v4 =	vmul.f32 $1.442695020e+00, v5;
	v5 =	vpop (erf)  }
0x157: {  	(erf) = vpow2.f32 v3;
	v3 =	vpop (erf)  }
0x158: {  	(erf) = vpow2.f32 v2;
	v2 =	vpop (erf)  }
0x159: {  	v9 =	vpop (erf)  }
0x15a: {  	v8 =	vadd.f32 $1.000000000e+00, v1;
	(erf) = vpow2.f32 v4;
	v12 =	vpop (erf)  }
0x15b: {  	v4 =	vadd.f32 $1.000000000e+00, v0;
	v13 =	vadd.f32 $1.000000000e+00, v12;
	v15 =	vpop (erf)  }
0x15c: {  	v10 =	vadd.f32 $1.000000000e+00, v7;
	v16 =	vadd.f32 $1.000000000e+00, v15;
	v18 =	vpop (erf)  }
0x15d: {  	v11 =	vadd.f32 $1.000000000e+00, v6;
	v4 =	vmul.f32 v4, v13;
	v45 =	vadd.f32 $1.000000000e+00, v18;
	v20 =	vpop (erf)  }
0x15e: {  	v14 =	vadd.f32 $1.000000000e+00, v5;
	v8 =	vmul.f32 v8, v16;
	v46 =	vadd.f32 $1.000000000e+00, v20;
	v22 =	vpop (erf)  }
0x15f: {  	v10 =	vmul.f32 v10, v45;
	v47 =	vadd.f32 $1.000000000e+00, v22;
	(erf) = vrcp.f32 v4  }
0x160: {  	v11 =	vmul.f32 v11, v46;
	(erf) = vrcp.f32 v8  }
0x161: {  	v4 =	vpop (erf);
	v13 =	vmul.f32 v14, v47;
	(erf) = vrcp.f32 v10  }
0x162: {  	v17 =	vadd.f32 $1.000000000e+00, v3;
	v48 =	vadd.f32 $1.000000000e+00, v4;
	v8 =	vpop (erf);
	(erf) = vrcp.f32 v11  }
0x163: {  	v19 =	vadd.f32 $1.000000000e+00, v2;
	v49 =	vadd.f32 $1.000000000e+00, v8;
	v10 =	vpop (erf);
	(erf) = vrcp.f32 v13  }
0x164: {  	v21 =	vadd.f32 $1.000000000e+00, v9;
	v16 =	vmul.f32 v17, v48;
	v50 =	vadd.f32 $1.000000000e+00, v10  }
0x165: {  	v11 =	vmul.f32 v19, v49  }
0x166: {  	v51 =	vmul.f32 v21, v50;
	(erf) = vrcp.f32 v16  }
0x167: {  	v52 =	vld [tilespmem:s17+$0x8400];
	(erf) = vrcp.f32 v11  }
0x168: {  	v0 =	vsub.f32 v0, v12;
	(erf) = vrcp.f32 v51;
	v55 =	vpop (erf)  }
0x169: {  	v1 =	vsub.f32 v1, v15;
	v11 =	vld [tilespmem:s17+$0x8410];
	v57 =	vpop (erf)  }
0x16a: {  	v53 =	vld [tilespmem:s17+$0x8420];
	v6 =	vsub.f32 v6, v20;
	v0 =	vmul.f32 v55, v0;
	v59 =	vpop (erf)  }
0x16b: {  	v54 =	vld [tilespmem:s17+$0x8430];
	v7 =	vsub.f32 v7, v18;
	v5 =	vsub.f32 v5, v22;
	v1 =	vmul.f32 v57, v1;
	v61 =	vpop (erf)  }
0x16c: {  	v56 =	vld [tilespmem:s17+$0x8440];
	v3 =	vsub.f32 v3, v4;
	v0 =	vmul.f32 v0, v52;
	v6 =	vmul.f32 v61, v6;
	v4 =	vpop (erf)  }
0x16d: {  	v58 =	vld [tilespmem:s17+$0x8450];
	v7 =	vmul.f32 v59, v7;
	v4 =	vmul.f32 v4, v5  }
0x16e: {  	v60 =	vld [tilespmem:s17+$0x8460];
	v1 =	vmul.f32 v1, v11  }
0x16f: {  	v62 =	vld [tilespmem:s17+$0x8470];
	v2 =	vsub.f32 v2, v8;
	[tilespmem:s17+$0x400] =	vst v0;
	v0 =	vmul.f32 v7, v53;
	v5 =	vpop (erf)  }
0x170: {  	[tilespmem:s17+$0x410] =	vst v1;
	v1 =	vmul.f32 v6, v54;
	v3 =	vmul.f32 v5, v3;
	v5 =	vsub.f32 v9, v10;
	v6 =	vpop (erf)  }
0x171: {  	[tilespmem:s17+$0x420] =	vst v0;
	v0 =	vmul.f32 v4, v56;
	v2 =	vmul.f32 v6, v2;
	v4 =	vpop (erf)  }
0x172: {  	[tilespmem:s17+$0x430] =	vst v1;
	v1 =	vmul.f32 v3, v58;
	v3 =	vmul.f32 v4, v5  }
0x173: {  	[tilespmem:s17+$0x440] =	vst v0;
	v0 =	vmul.f32 v2, v60  }
0x174: {  	[tilespmem:s17+$0x450] =	vst v1;
	v1 =	vmul.f32 v3, v62  }
0x175: {  	[tilespmem:s17+$0x460] =	vst v0  }
0x176: {  	s21 =	simm.s32 $0x0;
	[tilespmem:s17+$0x470] =	vst v1  }
0x177: {  	[hbm4b:s11+s21] =	stream.linear.scatter [tilespmem:s19], [sflag:$0x3], $0x4000, $0x38;
	[tilespmem:$0x18600] =	vst v63  }
0x178: {  	_ =	swait.ge [sflag:s31], $0x4000  }
0x179: {  	[sflag:s31] =	ssyncset.done $0x0  }
0x17a: {  	[sflag:s31] =	ssyncadd.s32 $0xFFFFC000  }
0x17b: {  	_ =	swait.ge [sflag:s31], $0x4000  }
0x17c: {  	[sflag:s31] =	ssyncset.done $0x0  }
0x17d: {  	[sflag:s31] =	ssyncadd.s32 $0xFFFFC000  }
0x17e: {  	_ =	swait.ge [sflag:s31], $0x4000  }
0x17f: {  	[sflag:s31] =	ssyncset.done $0x0  }
0x180: {  	s17 =	simm.s32 $0x0;
	[sflag:s31] =	ssyncadd.s32 $0xFFFFC000  }
0x181: {  	v0 =	vld [tilespmem:s17+$0x10400]  }
0x182: {  	v1 =	vld [tilespmem:s17+$0x10410];
	_ =	sdelay $0x3  }
0x183: {  	v0 =	vsub.f32 $0.0e+00, v0  }
0x184: {  	v2 =	vld [tilespmem:s17+$0x10420];
	v1 =	vsub.f32 $0.0e+00, v1  }
0x185: {  	v3 =	vld [tilespmem:s17+$0x10430];
	v0 =	vmul.f32 $1.442695020e+00, v0  }
0x186: {  	v4 =	vld [tilespmem:s17+$0x10440];
	v1 =	vmul.f32 $1.442695020e+00, v1  }
0x187: {  	(erf) = vpow2.f32 v0;
	v0 =	vld [tilespmem:s17+$0x10450]  }
0x188: {  	(erf) = vpow2.f32 v1;
	v1 =	vld [tilespmem:s17+$0x10460];
	_ =	sdelay $0x1  }
0x189: {  	v5 =	vld [tilespmem:s17+$0x10470];
	v2 =	vsub.f32 $0.0e+00, v2  }
0x18a: {  	v6 =	vld [tilespmem:s17+$0xC400];
	v3 =	vsub.f32 $0.0e+00, v3  }
0x18b: {  	v9 =	vld [tilespmem:s17+$0xC410];
	v4 =	vsub.f32 $0.0e+00, v4;
	v7 =	vmul.f32 $1.442695020e+00, v2;
	v0 =	vsub.f32 $0.0e+00, v0  }
0x18c: {  	v8 =	vmul.f32 $1.442695020e+00, v3;
	v3 =	vld [tilespmem:s17+$0xC420];
	v1 =	vsub.f32 $0.0e+00, v1  }
0x18d: {  	v10 =	vmul.f32 $1.442695020e+00, v4;
	v2 =	vld [tilespmem:s17+$0xC430];
	(erf) = vpow2.f32 v7  }
0x18e: {  	v63 =	vsub.f32 $0.0e+00, v5;
	v4 =	vld [tilespmem:s17+$0xC440];
	(erf) = vpow2.f32 v8;
	v11 =	vmul.f32 $1.442695020e+00, v0  }
0x18f: {  	v5 =	vld [tilespmem:s17+$0xC450];
	v8 =	vsub.f32 $0.0e+00, v6;
	v7 =	vmul.f32 $1.442695020e+00, v1;
	v0 =	vpop (erf);
	(erf) = vpow2.f32 v10  }
0x190: {  	s20 =	simm.s32 $0x200;
	v9 =	vsub.f32 $0.0e+00, v9;
	v6 =	vld [tilespmem:s17+$0xC460];
	v10 =	vmul.f32 $1.442695020e+00, v63;
	v1 =	vpop (erf);
	(erf) = vpow2.f32 v11  }
.LBB2_8:
0x191: {  	p0 =	sne.s32 s20, $0xFE00;
	v8 =	vmul.f32 $1.442695020e+00, v8;
	v3 =	vsub.f32 $0.0e+00, v3;
	v11 =	vld [tilespmem:s17+$0xC470];
	(erf) = vpow2.f32 v7  }
0x192: {  	v7 =	vmul.f32 $1.442695020e+00, v9;
	v2 =	vsub.f32 $0.0e+00, v2;
	(erf) = vpow2.f32 v10  }
0x193: {  	s21 =	sshra.s32 s20, $0x2;
	v3 =	vmul.f32 $1.442695020e+00, v3;
	v4 =	vsub.f32 $0.0e+00, v4;
	(erf) = vpow2.f32 v8  }
0x194: {  	v8 =	vld [tilespmem:s21+$0x10400];
	v2 =	vmul.f32 $1.442695020e+00, v2;
	v5 =	vsub.f32 $0.0e+00, v5;
	(erf) = vpow2.f32 v7  }
0x195: {  	v7 =	vld [tilespmem:s21+$0x10410];
	v4 =	vmul.f32 $1.442695020e+00, v4;
	v10 =	vsub.f32 $0.0e+00, v6;
	(erf) = vpow2.f32 v3  }
0x196: {  	v12 =	vmul.f32 $1.442695020e+00, v5;
	v11 =	vsub.f32 $0.0e+00, v11;
	v9 =	vpop (erf);
	(erf) = vpow2.f32 v2  }
0x197: {  	v2 =	vmul.f32 $1.442695020e+00, v10;
	v6 =	vpop (erf);
	(erf) = vpow2.f32 v4  }
0x198: {  	v4 =	vmul.f32 $1.442695020e+00, v11;
	v5 =	vpop (erf);
	(erf) = vpow2.f32 v12  }
0x199: {  	v3 =	vpop (erf);
	(erf) = vpow2.f32 v2  }
0x19a: {  	v2 =	vsub.f32 $0.0e+00, v8;
	v7 =	vsub.f32 $0.0e+00, v7;
	v8 =	vpop (erf);
	(erf) = vpow2.f32 v4  }
0x19b: {  	v10 =	vadd.f32 $1.000000000e+00, v1;
	v4 =	vadd.f32 $1.000000000e+00, v0;
	v11 =	vpop (erf)  }
0x19c: {  	v12 =	vadd.f32 $1.000000000e+00, v9;
	v13 =	vadd.f32 $1.000000000e+00, v6;
	v14 =	vpop (erf)  }
0x19d: {  	v16 =	vadd.f32 $1.000000000e+00, v5;
	v15 =	vadd.f32 $1.000000000e+00, v14;
	v17 =	vpop (erf)  }
0x19e: {  	v19 =	vadd.f32 $1.000000000e+00, v3;
	v18 =	vadd.f32 $1.000000000e+00, v17;
	v20 =	vpop (erf)  }
0x19f: {  	v21 =	vadd.f32 $1.000000000e+00, v8;
	v27 =	vmul.f32 v4, v15;
	v15 =	vadd.f32 $1.000000000e+00, v20;
	v22 =	vpop (erf)  }
0x1a0: {  	v24 =	vadd.f32 $1.000000000e+00, v11;
	v23 =	vld [tilespmem:s21+$0x10420];
	v28 =	vmul.f32 v10, v18;
	v18 =	vadd.f32 $1.000000000e+00, v22;
	v25 =	vpop (erf)  }
0x1a1: {  	v26 =	vld [tilespmem:s21+$0x10430];
	v29 =	vmul.f32 v12, v15;
	v15 =	vadd.f32 $1.000000000e+00, v25;
	(erf) = vrcp.f32 v27;
	v4 =	vpop (erf)  }
0x1a2: {  	v27 =	vld [tilespmem:s21+$0x10440];
	v13 =	vmul.f32 v13, v18;
	v18 =	vadd.f32 $1.000000000e+00, v4;
	(erf) = vrcp.f32 v28;
	v10 =	vpop (erf)  }
0x1a3: {  	v28 =	vld [tilespmem:s21+$0x10450];
	v15 =	vmul.f32 v16, v15;
	v16 =	vadd.f32 $1.000000000e+00, v10;
	(erf) = vrcp.f32 v29;
	v12 =	vpop (erf)  }
0x1a4: {  	v18 =	vmul.f32 v19, v18;
	v19 =	vadd.f32 $1.000000000e+00, v12;
	(erf) = vrcp.f32 v13  }
0x1a5: {  	v13 =	vsub.f32 $0.0e+00, v23;
	v16 =	vmul.f32 v21, v16;
	(erf) = vrcp.f32 v15  }
0x1a6: {  	v15 =	vsub.f32 $0.0e+00, v26;
	v21 =	vld [tilespmem:s17+$0x14400];
	v19 =	vmul.f32 v24, v19;
	(erf) = vrcp.f32 v18  }
0x1a7: {  	v2 =	vmul.f32 $1.442695020e+00, v2;
	v18 =	vsub.f32 $0.0e+00, v27;
	v23 =	vld [tilespmem:s17+$0x14410];
	(erf) = vrcp.f32 v16  }
0x1a8: {  	v7 =	vmul.f32 $1.442695020e+00, v7;
	v16 =	vsub.f32 $0.0e+00, v28;
	v24 =	vld [tilespmem:s17+$0x14420];
	(erf) = vrcp.f32 v19  }
0x1a9: {  	v0 =	vsub.f32 v0, v14;
	v13 =	vmul.f32 $1.442695020e+00, v13;
	v15 =	vmul.f32 $1.442695020e+00, v15;
	v14 =	vld [tilespmem:s17+$0x14430]  }
0x1aa: {  	v1 =	vsub.f32 v1, v17;
	v18 =	vmul.f32 $1.442695020e+00, v18;
	v16 =	vmul.f32 $1.442695020e+00, v16;
	v17 =	vld [tilespmem:s17+$0x14440];
	v19 =	vpop (erf)  }
0x1ab: {  	(erf) = vpow2.f32 v2;
	v0 =	vmul.f32 v19, v0;
	v2 =	vsub.f32 v9, v20;
	v9 =	vld [tilespmem:s17+$0x14450];
	v19 =	vpop (erf)  }
0x1ac: {  	v6 =	vsub.f32 v6, v22;
	(erf) = vpow2.f32 v7;
	v1 =	vmul.f32 v19, v1;
	v7 =	vld [tilespmem:s17+$0x14460];
	v19 =	vpop (erf)  }
0x1ad: {  	v22 =	vsub.f32 v5, v25;
	v0 =	vmul.f32 v0, v21;
	v2 =	vmul.f32 v19, v2;
	v19 =	vld [tilespmem:s17+$0x14470];
	v20 =	vpop (erf)  }
0x1ae: {  	v21 =	vld [tilespmem:s21+$0x10460];
	v1 =	vmul.f32 v1, v23;
	v6 =	vmul.f32 v20, v6;
	v23 =	vsub.f32 v3, v4;
	v4 =	vpop (erf)  }
0x1af: {  	v20 =	vld [tilespmem:s21+$0x10470];
	[tilespmem:s17+$0xC400] =	vst v0;
	v0 =	vmul.f32 v2, v24;
	v22 =	vmul.f32 v4, v22;
	v4 =	vsub.f32 v8, v10;
	v5 =	vpop (erf)  }
0x1b0: {  	v8 =	vld [tilespmem:s21+$0xC400];
	[tilespmem:s17+$0xC410] =	vst v1;
	v1 =	vmul.f32 v6, v14;
	v5 =	vmul.f32 v5, v23;
	v6 =	vsub.f32 v11, v12;
	v3 =	vpop (erf)  }
0x1b1: {  	v10 =	vld [tilespmem:s21+$0xC410];
	[tilespmem:s17+$0xC420] =	vst v0;
	v12 =	vmul.f32 v22, v17;
	v4 =	vmul.f32 v3, v4;
	v2 =	vpop (erf)  }
.Ltmp3:
0x1b2: {  	v3 =	vld [tilespmem:s21+$0xC420];
	[tilespmem:s17+$0xC430] =	vst v1;
	v14 =	vmul.f32 v5, v9;
	v5 =	vmul.f32 v2, v6;
	(pc) =	sbr.rel @p0 .LBB2_8-.Ltmp3, $4  }
0x1b3: {  	v2 =	vld [tilespmem:s21+$0xC430];
	v6 =	vsub.f32 $0.0e+00, v21;
	(erf) = vpow2.f32 v13;
	[tilespmem:s17+$0xC440] =	vst v12;
	v9 =	vmul.f32 v4, v7  }
0x1b4: {  	v4 =	vld [tilespmem:s21+$0xC440];
	v11 =	vsub.f32 $0.0e+00, v20;
	v0 =	vpop (erf);
	(erf) = vpow2.f32 v15;
	[tilespmem:s17+$0xC450] =	vst v14;
	v12 =	vmul.f32 v5, v19  }
0x1b5: {  	v8 =	vsub.f32 $0.0e+00, v8;
	v5 =	vld [tilespmem:s21+$0xC450];
	v7 =	vmul.f32 $1.442695020e+00, v6;
	v1 =	vpop (erf);
	(erf) = vpow2.f32 v18;
	[tilespmem:s17+$0xC460] =	vst v9  }
0x1b6: {  	s20 =	sadd.s32 $0x200, s20;
	v9 =	vsub.f32 $0.0e+00, v10;
	v6 =	vld [tilespmem:s21+$0xC460];
	v10 =	vmul.f32 $1.442695020e+00, v11;
	(erf) = vpow2.f32 v16;
	[tilespmem:s17+$0xC470] =	vst v12;
	s17 =	smov.u32 s21  }
0x1b7: {  	v8 =	vmul.f32 $1.442695020e+00, v8;
	v3 =	vsub.f32 $0.0e+00, v3;
	v11 =	vld [tilespmem:s17+$0xC470];
	(erf) = vpow2.f32 v7  }
0x1b8: {  	v52 =	vmul.f32 $1.442695020e+00, v9;
	v2 =	vsub.f32 $0.0e+00, v2;
	(erf) = vpow2.f32 v10  }
0x1b9: {  	v3 =	vmul.f32 $1.442695020e+00, v3;
	v4 =	vsub.f32 $0.0e+00, v4;
	(erf) = vpow2.f32 v8  }
0x1ba: {  	v2 =	vmul.f32 $1.442695020e+00, v2;
	v5 =	vsub.f32 $0.0e+00, v5;
	(erf) = vpow2.f32 v52  }
0x1bb: {  	v4 =	vmul.f32 $1.442695020e+00, v4;
	v6 =	vsub.f32 $0.0e+00, v6;
	(erf) = vpow2.f32 v3  }
0x1bc: {  	v53 =	vmul.f32 $1.442695020e+00, v5;
	v54 =	vsub.f32 $0.0e+00, v11;
	v55 =	vpop (erf);
	(erf) = vpow2.f32 v2  }
0x1bd: {  	v56 =	vmul.f32 $1.442695020e+00, v6;
	v57 =	vpop (erf);
	(erf) = vpow2.f32 v4  }
0x1be: {  	v58 =	vmul.f32 $1.442695020e+00, v54;
	v59 =	vpop (erf);
	(erf) = vpow2.f32 v53  }
0x1bf: {  	v60 =	vpop (erf);
	(erf) = vpow2.f32 v56  }
0x1c0: {  	v61 =	vpop (erf);
	(erf) = vpow2.f32 v58  }
0x1c1: {  	v62 =	vadd.f32 $1.000000000e+00, v0;
	v63 =	vadd.f32 $1.000000000e+00, v1;
	v24 =	vpop (erf)  }
0x1c2: {  	v25 =	vadd.f32 $1.000000000e+00, v55;
	v26 =	vadd.f32 $1.000000000e+00, v57;
	v12 =	vpop (erf)  }
0x1c3: {  	v14 =	vadd.f32 $1.000000000e+00, v59;
	v13 =	vadd.f32 $1.000000000e+00, v12;
	v15 =	vpop (erf)  }
0x1c4: {  	v17 =	vadd.f32 $1.000000000e+00, v60;
	v16 =	vadd.f32 $1.000000000e+00, v15;
	v18 =	vpop (erf)  }
0x1c5: {  	v19 =	vadd.f32 $1.000000000e+00, v61;
	v4 =	vmul.f32 v62, v13;
	v27 =	vadd.f32 $1.000000000e+00, v18;
	v20 =	vpop (erf)  }
0x1c6: {  	v21 =	vadd.f32 $1.000000000e+00, v24;
	v8 =	vmul.f32 v63, v16;
	v28 =	vadd.f32 $1.000000000e+00, v20;
	v22 =	vpop (erf)  }
0x1c7: {  	v10 =	vmul.f32 v25, v27;
	v29 =	vadd.f32 $1.000000000e+00, v22;
	(erf) = vrcp.f32 v4;
	v30 =	vpop (erf)  }
0x1c8: {  	v11 =	vmul.f32 v26, v28;
	v31 =	vadd.f32 $1.000000000e+00, v30;
	(erf) = vrcp.f32 v8;
	v32 =	vpop (erf)  }
0x1c9: {  	v13 =	vmul.f32 v14, v29;
	v33 =	vadd.f32 $1.000000000e+00, v32;
	(erf) = vrcp.f32 v10;
	v34 =	vpop (erf)  }
0x1ca: {  	v16 =	vmul.f32 v17, v31;
	v35 =	vadd.f32 $1.000000000e+00, v34;
	(erf) = vrcp.f32 v11  }
0x1cb: {  	v36 =	vmul.f32 v19, v33;
	(erf) = vrcp.f32 v13  }
0x1cc: {  	v37 =	vmul.f32 v21, v35;
	(erf) = vrcp.f32 v16  }
0x1cd: {  	(erf) = vrcp.f32 v36  }
0x1ce: {  	v38 =	vld [tilespmem:s17+$0x14400];
	(erf) = vrcp.f32 v37  }
0x1cf: {  	v39 =	vld [tilespmem:s17+$0x14410];
	v41 =	vsub.f32 v0, v12  }
0x1d0: {  	v40 =	vld [tilespmem:s17+$0x14420];
	v43 =	vsub.f32 v1, v15;
	v44 =	vpop (erf)  }
0x1d1: {  	v42 =	vld [tilespmem:s17+$0x14430];
	v7 =	vsub.f32 v55, v18;
	v0 =	vmul.f32 v44, v41;
	v46 =	vpop (erf)  }
0x1d2: {  	v45 =	vld [tilespmem:s17+$0x14440];
	v6 =	vsub.f32 v57, v20;
	v1 =	vmul.f32 v46, v43;
	v48 =	vpop (erf)  }
0x1d3: {  	v47 =	vld [tilespmem:s17+$0x14450];
	v5 =	vsub.f32 v59, v22;
	v0 =	vmul.f32 v0, v38;
	v7 =	vmul.f32 v48, v7;
	v50 =	vpop (erf)  }
0x1d4: {  	v49 =	vld [tilespmem:s17+$0x14460];
	v3 =	vsub.f32 v60, v30;
	v1 =	vmul.f32 v1, v39;
	v6 =	vmul.f32 v50, v6;
	v52 =	vpop (erf)  }
0x1d5: {  	v51 =	vld [tilespmem:s17+$0x14470];
	v2 =	vsub.f32 v61, v32;
	[tilespmem:s17+$0xC400] =	vst v0;
	v53 =	vmul.f32 v7, v40;
	v4 =	vmul.f32 v52, v5;
	v54 =	vpop (erf)  }
0x1d6: {  	v56 =	vsub.f32 v24, v34;
	[tilespmem:s17+$0xC410] =	vst v1;
	v55 =	vmul.f32 v6, v42;
	v3 =	vmul.f32 v54, v3;
	v57 =	vpop (erf)  }
0x1d7: {  	[tilespmem:s17+$0xC420] =	vst v53;
	v58 =	vmul.f32 v4, v45;
	v2 =	vmul.f32 v57, v2;
	v59 =	vpop (erf)  }
0x1d8: {  	[tilespmem:s17+$0xC430] =	vst v55;
	v60 =	vmul.f32 v3, v47;
	v61 =	vmul.f32 v59, v56  }
0x1d9: {  	[tilespmem:s17+$0xC440] =	vst v58;
	v62 =	vmul.f32 v2, v49  }
0x1da: {  	[tilespmem:s17+$0xC450] =	vst v60;
	v63 =	vmul.f32 v61, v51  }
0x1db: {  	[tilespmem:s17+$0xC460] =	vst v62  }
0x1dc: {  	[tilespmem:s17+$0xC470] =	vst v63  }
0x1dd: {  	[hbm4b:s12+s5] =	stream.linear.scatter [tilespmem:s22], [sflag:$0x3], $0x4000, $0x38;
	[tilespmem:$0x18600] =	vst v63  }
0x1de: {  	_ =	swait.ge [sflag:s28], $0x4000  }
0x1df: {  	[sflag:s28] =	ssyncset.done $0x0  }
0x1e0: {  	[sflag:s28] =	ssyncadd.s32 $0xFFFFC000  }
0x1e1: {  	_ =	swait.ge [sflag:s28], $0x4000  }
0x1e2: {  	[sflag:s28] =	ssyncset.done $0x0  }
0x1e3: {  	[sflag:s28] =	ssyncadd.s32 $0xFFFFC000  }
0x1e4: {  	s0 =	sadd.s32 $0x1, s0;
	_ =	swait.ge [sflag:s29], $0x200  }
0x1e5: {  	p0 =	sne.s32 s0, s14;
	[sflag:s29] =	ssyncset.done $0x0  }
.Ltmp4:
0x1e6: {  	s17 =	simm.s32 $0x18400;
	[sflag:s29] =	ssyncadd.s32 $0xFFFFFE00;
	(pc) =	sbr.rel @p0 .LBB2_1-.Ltmp4, $4  }
0x1e7: {  	[hbm4b:s13+s5] =	stream.linear.scatter [tilespmem:s17], [sflag:$0x5], $0x200, $0x38;
	[tilespmem:$0x18600] =	vst v63  }
0x1e8: {  	_ =	swait.ge [sflag:s15], $0x200  }
0x1e9: {  	[sflag:s15] =	ssyncset.done $0x0  }
0x1ea: {  	[sflag:s15] =	ssyncadd.s32 $0xFFFFFE00  }
0x1eb: {  	_ =	sfence.sel $0x180000  }
0x1ec: {  	[bflag:$0x0] =	sbarrier.arrive $0xFFFF  }
0x1ed: {  	_ =	strace $0x90000047  }
0x1ee: {  	s0 =	stileid.u32;
	[bflag:$0x2] =	sbarrier.arrive $0xFFFF  }
0x1ef: {  	p0 =	sne.s32 s0, $0x0;
	s0 =	rddreg [dreg:$0x7]  }
0x1f0: {  	s0 =	sadd.s32 @!p0 $0x100000, s0  }
0x1f1: {  	[sflag:s0] =	ssyncadd.tile.s32 @!p0 $0x1;
	_ =	shalt  }
.Lfunc_end2:
_tile_overlayer_lowered:
.L_overlay_start_2:
0x1f2: {  	(tag) =	ssettag $0x2  }
0x1f3: {  	s0 =	rddreg [dreg:$0x0];
	s2 =	stileid.u32  }
0x1f4: {  	s1 =	rddreg [dreg:$0x1];
	p0 =	sne.s32 s2, $0x0  }
0x1f5: {  	s3 =	rddreg [dreg:$0x2];
	[bflag:$0x3] =	sbarrier.arrive $0xFFFF;
	s2 =	simm.s32 @!p0 $0x1C05  }
0x1f6: {  	[timem:s3], [sflag:s2] =	dma.local @!p0 [hbm:s0], s1  }
0x1f7: {  	s0 =	simm.s32 @!p0 $0x5  }
0x1f8: {  	_ =	swait.ge @!p0 [sflag:s0], s1  }
0x1f9: {  	s1 =	ssub.s32 @!p0 $0x0, s1;
	[sflag:s0] =	ssyncset.done @!p0 $0x0  }
0x1fa: {  	[sflag:s0] =	ssyncadd.s32 @!p0 s1  }
0x1fb: {  	[bflag:$0x3] =	sbarrier.arrive $0xFFFF  }
0x1fc: {  	_ =	shalt  }

</sc_bundles>
